<compile_context>
chip_gen: v7x
topology: tpu7x:2x2x1
jax: 0.10.2.dev20260603
libtpu: 0.0.44.dev20260713+nightly
codegen_flags: <defaults>
</compile_context>

<pallas_src>
import functools

import jax
import jax.numpy as jnp
from jax import lax
from jax.experimental import pallas as pl
from jax.experimental.pallas import tpu as pltpu
from jax.experimental.pallas import tpu_sc as plsc

B = 1024
T = 2
D_IN = 128
D = T * D_IN
S = 65536
K = 32
SEG = 512
NSEG = S // SEG
LEV = 10
NCAND = NSEG * LEV
NEG = float("-inf")

NW = 32
RPW = B // NW


def _encode_topk_kernel(xmt_ref, w_ref, be_ref, ov_ref, oi_ref,
                        work_ref, smv_ref, smi_ref, sv_ref, si_ref):
    cb = pl.program_id(0)
    pre = lax.dot_general(
        w_ref[...], xmt_ref[...], (((1,), (0,)), ((), ())),
        preferred_element_type=jnp.float32,
        precision=lax.Precision.DEFAULT,
    )
    work_ref[...] = pre + be_ref[...].reshape(SEG, 1)
    base = cb * SEG

    def level(t, _):
        w = work_ref[...]
        m = jnp.max(w, axis=0)
        i = jnp.argmax(w, axis=0).astype(jnp.int32)
        smv_ref[cb * LEV + t, :] = m
        smi_ref[cb * LEV + t, :] = i + base
        iota0 = lax.broadcasted_iota(jnp.int32, (SEG, B), 0)
        work_ref[...] = jnp.where(iota0 == i[None, :], NEG, w)
        return 0

    lax.fori_loop(0, LEV, level, 0)

    @pl.when(cb == NSEG - 1)
    def _finish():
        def pop(p, _):
            c = smv_ref[...]
            m = jnp.max(c, axis=0)
            fiota = lax.broadcasted_iota(jnp.int32, (NCAND, B), 0)
            eq = c == m[None, :]
            fi = jnp.min(jnp.where(eq, fiota, NCAND), axis=0)
            oh = fiota == fi[None, :]
            gi = jnp.sum(jnp.where(oh, smi_ref[...], 0), axis=0)
            sv_ref[p, :] = m
            si_ref[p, :] = gi
            smv_ref[...] = jnp.where(oh, NEG, c)
            return 0

        lax.fori_loop(0, K, pop, 0)
        ov_ref[...] = sv_ref[...].T
        oi_ref[...] = si_ref[...].T


def _sc_zdec_kernel(vals_hbm, idx_hbm, wd_hbm, x_hbm, bd_hbm,
                    z_hbm, xh_hbm, lp_hbm,
                    zbuf, gbuf, vbuf, ibuf, irow, xbuf, bdbuf, acc, lacc,
                    gsem, zsem):
    wid = lax.axis_index("s") * 2 + lax.axis_index("c")
    r0 = wid * RPW
    pltpu.sync_copy(vals_hbm.at[pl.ds(r0 * K, RPW * K)], vbuf.at[pl.ds(0, RPW * K)])
    pltpu.sync_copy(idx_hbm.at[pl.ds(r0, RPW)], ibuf)
    pltpu.sync_copy(x_hbm.at[pl.ds(r0, RPW)], xbuf)
    pltpu.sync_copy(bd_hbm, bdbuf)
    lacc[...] = jnp.zeros((16,), jnp.float32)

    def zero16(i, _):
        zbuf[pl.ds(i * 16, 16)] = jnp.zeros((16,), jnp.float32)
        return 0

    lax.fori_loop(0, S // 16, zero16, 0)

    def row(r, _):
        irow[pl.ds(0, 16)] = ibuf[r, pl.ds(0, 16)]
        irow[pl.ds(16, 16)] = ibuf[r, pl.ds(16, 16)]
        gcopy = pltpu.async_copy(wd_hbm.at[irow], gbuf, gsem)
        iv0 = irow[pl.ds(0, 16)]
        iv1 = irow[pl.ds(16, 16)]
        rv0 = jnp.maximum(vbuf[pl.ds(r * K, 16)], 0.0)
        rv1 = jnp.maximum(vbuf[pl.ds(r * K + 16, 16)], 0.0)
        plsc.store_scatter(zbuf, [iv0], rv0)
        plsc.store_scatter(zbuf, [iv1], rv1)
        zcopy = pltpu.async_copy(zbuf, z_hbm.at[r0 + r], zsem)

        gcopy.wait()
        for c in range(D // 16):
            acc[pl.ds(c * 16, 16)] = bdbuf[pl.ds(c * 16, 16)]

        def dec(k, _):
            rvk = jnp.maximum(vbuf[pl.ds(r * K + k, 16)][0], 0.0)
            sp = jnp.full((16,), rvk, jnp.float32)
            for c in range(D // 16):
                sl = pl.ds(c * 16, 16)
                acc[sl] = acc[sl] + sp * gbuf[k, sl]
            return 0

        lax.fori_loop(0, K, dec, 0)
        for c in range(D // 16):
            sl = pl.ds(c * 16, 16)
            d = acc[sl] - xbuf[r, sl]
            lacc[...] = lacc[...] + d * d
        pltpu.sync_copy(acc, xh_hbm.at[r0 + r])

        zcopy.wait()
        z16 = jnp.zeros((16,), jnp.float32)
        plsc.store_scatter(zbuf, [iv0], z16)
        plsc.store_scatter(zbuf, [iv1], z16)
        return 0

    lax.fori_loop(0, RPW, row, 0)
    pltpu.sync_copy(lacc, lp_hbm.at[wid])


def _loss_kernel(lp_ref, loss_ref):
    loss_ref[...] = (jnp.sum(lp_ref[...]) * (1.0 / (B * T))).reshape(1, 1)


@jax.jit
def kernel(x, W_enc, b_enc, W_dec, b_dec):
    xm = (x - b_dec[None]).reshape(B, D)
    xmt = xm.T
    w2 = W_enc.reshape(S, D)
    be3 = b_enc.reshape(NSEG, SEG, 1)

    vals, idx = pl.pallas_call(
        _encode_topk_kernel,
        grid=(NSEG,),
        in_specs=[
            pl.BlockSpec((D, B), lambda cb: (0, 0)),
            pl.BlockSpec((SEG, D), lambda cb: (cb, 0)),
            pl.BlockSpec((1, SEG, 1), lambda cb: (cb, 0, 0)),
        ],
        out_specs=[
            pl.BlockSpec((B, K), lambda cb: (0, 0)),
            pl.BlockSpec((B, K), lambda cb: (0, 0)),
        ],
        out_shape=[
            jax.ShapeDtypeStruct((B, K), jnp.float32),
            jax.ShapeDtypeStruct((B, K), jnp.int32),
        ],
        scratch_shapes=[
            pltpu.VMEM((SEG, B), jnp.float32),
            pltpu.VMEM((NCAND, B), jnp.float32),
            pltpu.VMEM((NCAND, B), jnp.int32),
            pltpu.VMEM((K, B), jnp.float32),
            pltpu.VMEM((K, B), jnp.int32),
        ],
    )(xmt, w2, be3)

    z, xh, lp = _sc_zdec(vals, idx, W_dec.reshape(S, D), x.reshape(B, D),
                         b_dec.reshape(D))

    loss = pl.pallas_call(
        _loss_kernel,
        out_shape=jax.ShapeDtypeStruct((1, 1), jnp.float32),
    )(lp)

    return (loss.reshape(()), xh.reshape(B, T, D_IN), z)


def _sc_zdec(vals, idx, wd2, x2, bd):
    mesh = plsc.VectorSubcoreMesh(core_axis_name="c", subcore_axis_name="s")
    f = pl.kernel(
        _sc_zdec_kernel, mesh=mesh,
        compiler_params=pltpu.CompilerParams(needs_layout_passes=False),
        out_type=[
            jax.ShapeDtypeStruct((B, S), jnp.float32),
            jax.ShapeDtypeStruct((B, D), jnp.float32),
            jax.ShapeDtypeStruct((NW, 16), jnp.float32),
        ],
        scratch_types=[
            pltpu.VMEM((S,), jnp.float32),
            pltpu.VMEM((K, D), jnp.float32),
            pltpu.VMEM((RPW * K + 16,), jnp.float32),
            pltpu.VMEM((RPW, K), jnp.int32),
            pltpu.VMEM((K,), jnp.int32),
            pltpu.VMEM((RPW, D), jnp.float32),
            pltpu.VMEM((D,), jnp.float32),
            pltpu.VMEM((D,), jnp.float32),
            pltpu.VMEM((16,), jnp.float32),
            pltpu.SemaphoreType.DMA,
            pltpu.SemaphoreType.DMA,
        ],
    )
    return f(vals.reshape(B * K), idx, wd2, x2, bd)

# --- scband reference (transcript-rebuilt; emitter-appended) ---
"""Pipeline reference for scband-txcencoder-variant-base-81612968558795 (READ-ONLY COPY).

The authoritative reference and input builder live on the scoring server;
editing this copy changes nothing except your own understanding.
"""

import jax, jax.numpy as jnp
import numpy as np

B = 1024
T = 2
D_IN = 128
D_SAE = 65536
K = 32


def setup_inputs(seed: int = 0) -> dict:
    key = jax.random.key(seed)
    k1, k2, k3 = jax.random.split(key, 3)
    x = jax.random.normal(k1, (B, T, D_IN), dtype=jnp.float32)
    # Learned params (encoder + per-position decoder per __init__)
    W_enc = jax.random.normal(k2, (D_SAE, T, D_IN), dtype=jnp.float32) * (1.0 / D_IN ** 0.5)
    b_enc = jnp.zeros((D_SAE,), dtype=jnp.float32)
    W_dec = jax.random.normal(k3, (D_SAE, T, D_IN), dtype=jnp.float32) * (1.0 / D_SAE ** 0.5)
    b_dec = jnp.zeros((T, D_IN), dtype=jnp.float32)
    return {"x": x, "W_enc": W_enc, "b_enc": b_enc, "W_dec": W_dec, "b_dec": b_dec}


def _topk_mask(pre, k):
    # pre: [B, d_sae] -> keep top-k per row, relu'd, zeros elsewhere (scatter-overwrite)
    vals, idx = jax.lax.top_k(pre, k)
    rows = jnp.arange(pre.shape[0])[:, None]
    z = jnp.zeros_like(pre).at[rows, idx].set(jax.nn.relu(vals))
    return z


def reference(x, W_enc, b_enc, W_dec, b_dec):
    # encode: per-position encoder projecting [B,T,d_in] -> [B,d_sae], then TopK mask
    pre = jnp.einsum('btd,std->bs', x - b_dec, W_enc) + b_enc
    z = _topk_mask(pre, K)
    # decode: z [B, d_sae] x W_dec [d_sae, T, d_in] -> [B, T, d_in] + b_dec
    x_hat = jnp.einsum('bs,std->btd', z, W_dec) + b_dec
    recon_loss = jnp.mean(jnp.sum((x_hat - x) ** 2, axis=-1))
    return (recon_loss, x_hat, z)

if __name__ == "__main__":
    import jax
    _d = setup_inputs()
    print(jax.jit(kernel)(*tuple(_d.values())))

</pallas_src>

<mosaic_0001>
#map = affine_map<(d0, d1) -> (0)>
#map1 = affine_map<(d0, d1) -> (0, 0)>
module attributes {stable_mosaic.version = 14 : i64} {
  func.func @_sc_zdec_kernel(%arg0: i32, %arg1: i32, %arg2: memref<32768xf32, #tpu.memory_space<hbm>>, %arg3: memref<1024x32xi32, #tpu.memory_space<hbm>>, %arg4: memref<65536x256xf32, #tpu.memory_space<hbm>>, %arg5: memref<1024x256xf32, #tpu.memory_space<hbm>>, %arg6: memref<256xf32, #tpu.memory_space<hbm>>, %arg7: memref<1024x65536xf32, #tpu.memory_space<hbm>>, %arg8: memref<1024x256xf32, #tpu.memory_space<hbm>>, %arg9: memref<32x16xf32, #tpu.memory_space<hbm>>, %arg10: memref<65536xf32, #tpu.memory_space<vmem>>, %arg11: memref<32x256xf32, #tpu.memory_space<vmem>>, %arg12: memref<1040xf32, #tpu.memory_space<vmem>>, %arg13: memref<32x32xi32, #tpu.memory_space<vmem>>, %arg14: memref<32xi32, #tpu.memory_space<vmem>>, %arg15: memref<32x256xf32, #tpu.memory_space<vmem>>, %arg16: memref<256xf32, #tpu.memory_space<vmem>>, %arg17: memref<256xf32, #tpu.memory_space<vmem>>, %arg18: memref<16xf32, #tpu.memory_space<vmem>>, %arg19: memref<!tpu.dma_semaphore, #tpu.memory_space<semaphore_mem>>, %arg20: memref<!tpu.dma_semaphore, #tpu.memory_space<semaphore_mem>>) attributes {dimension_semantics = [#tpu.dimension_semantics<core_parallel>, #tpu.dimension_semantics<subcore_parallel>], iteration_bounds = array<i64: 2, 16>, scalar_prefetch = 0 : i64, scratch_operands = 11 : i64, tpu.core_type = #tpu.core_type<sc_vector_subcore>, window_params = [{transform_indices = #map}, {transform_indices = #map1}, {transform_indices = #map1}, {transform_indices = #map1}, {transform_indices = #map}, {transform_indices = #map1}, {transform_indices = #map1}, {transform_indices = #map1}]} {
    %mul3A = arith.constant 2 : i32
    %mul3A_0 = arith.muli %arg1, %mul3A : i32
    %add3A = arith.addi %mul3A_0, %arg0 : i32
    %mul3A_1 = arith.constant 32 : i32
    %mul3A_2 = arith.muli %add3A, %mul3A_1 : i32
    %mul3A_3 = arith.constant 32 : i32
    %mul3A_4 = arith.muli %mul3A_2, %mul3A_3 : i32
    "tpu.region"() ({
      %run_scoped3A = tpu.sem_alloc : memref<!tpu.dma_semaphore, #tpu.memory_space<semaphore_mem>>
      %dma_start3A = arith.constant 0 : i32
      %dma_start3A_20 = tpu.memref_slice %arg12[%dma_start3A] : memref<1040xf32, #tpu.memory_space<vmem>> -> memref<1024xf32, #tpu.memory_space<vmem>>
      %dma_start3A_21 = tpu.memref_slice %arg2[%mul3A_4] : memref<32768xf32, #tpu.memory_space<hbm>> -> memref<1024xf32, #tpu.memory_space<hbm>>
      %dma_start3A_22 = arith.constant 0 : i32
      %dma_start3A_23 = tpu.memref_slice %arg12[%dma_start3A_22] : memref<1040xf32, #tpu.memory_space<vmem>> -> memref<1024xf32, #tpu.memory_space<vmem>>
      %dma_start3A_24 = tpu.memref_slice %arg2[%mul3A_4] : memref<32768xf32, #tpu.memory_space<hbm>> -> memref<1024xf32, #tpu.memory_space<hbm>>
      tpu.enqueue_dma source(%dma_start3A_24 : memref<1024xf32, #tpu.memory_space<hbm>>) target(%dma_start3A_23 : memref<1024xf32, #tpu.memory_space<vmem>>) target_semaphore(%run_scoped3A : memref<!tpu.dma_semaphore, #tpu.memory_space<semaphore_mem>>)
      %dma_wait3A = arith.constant 0 : i32
      %dma_wait3A_25 = tpu.memref_slice %arg12[%dma_wait3A] : memref<1040xf32, #tpu.memory_space<vmem>> -> memref<1024xf32, #tpu.memory_space<vmem>>
      %dma_wait3A_26 = tpu.memref_slice %arg2[%mul3A_4] : memref<32768xf32, #tpu.memory_space<hbm>> -> memref<1024xf32, #tpu.memory_space<hbm>>
      %dma_wait3A_27 = arith.constant 0 : i32
      %dma_wait3A_28 = tpu.memref_slice %arg12[%dma_wait3A_27] : memref<1040xf32, #tpu.memory_space<vmem>> -> memref<1024xf32, #tpu.memory_space<vmem>>
      %dma_wait3A_29 = tpu.memref_slice %arg2[%mul3A_4] : memref<32768xf32, #tpu.memory_space<hbm>> -> memref<1024xf32, #tpu.memory_space<hbm>>
      tpu.wait_dma2 semaphore(%run_scoped3A : memref<!tpu.dma_semaphore, #tpu.memory_space<semaphore_mem>>) src(%dma_wait3A_29 : memref<1024xf32, #tpu.memory_space<hbm>>) dst(%dma_wait3A_28 : memref<1024xf32, #tpu.memory_space<vmem>>)
      tpu.yield
    }) : () -> ()
    "tpu.region"() ({
      %run_scoped3A = tpu.sem_alloc : memref<!tpu.dma_semaphore, #tpu.memory_space<semaphore_mem>>
      %dma_start3A = arith.constant 0 : i32
      %dma_start3A_20 = tpu.memref_slice %arg3[%mul3A_2, %dma_start3A] : memref<1024x32xi32, #tpu.memory_space<hbm>> -> memref<32x32xi32, #tpu.memory_space<hbm>>
      %dma_start3A_21 = arith.constant 0 : i32
      %dma_start3A_22 = tpu.memref_slice %arg3[%mul3A_2, %dma_start3A_21] : memref<1024x32xi32, #tpu.memory_space<hbm>> -> memref<32x32xi32, #tpu.memory_space<hbm>>
      tpu.enqueue_dma source(%dma_start3A_22 : memref<32x32xi32, #tpu.memory_space<hbm>>) target(%arg13 : memref<32x32xi32, #tpu.memory_space<vmem>>) target_semaphore(%run_scoped3A : memref<!tpu.dma_semaphore, #tpu.memory_space<semaphore_mem>>)
      %dma_wait3A = arith.constant 0 : i32
      %dma_wait3A_23 = tpu.memref_slice %arg3[%mul3A_2, %dma_wait3A] : memref<1024x32xi32, #tpu.memory_space<hbm>> -> memref<32x32xi32, #tpu.memory_space<hbm>>
      %dma_wait3A_24 = arith.constant 0 : i32
      %dma_wait3A_25 = tpu.memref_slice %arg3[%mul3A_2, %dma_wait3A_24] : memref<1024x32xi32, #tpu.memory_space<hbm>> -> memref<32x32xi32, #tpu.memory_space<hbm>>
      tpu.wait_dma2 semaphore(%run_scoped3A : memref<!tpu.dma_semaphore, #tpu.memory_space<semaphore_mem>>) src(%dma_wait3A_25 : memref<32x32xi32, #tpu.memory_space<hbm>>) dst(%arg13 : memref<32x32xi32, #tpu.memory_space<vmem>>)
      tpu.yield
    }) : () -> ()
    "tpu.region"() ({
      %run_scoped3A = tpu.sem_alloc : memref<!tpu.dma_semaphore, #tpu.memory_space<semaphore_mem>>
      %dma_start3A = arith.constant 0 : i32
      %dma_start3A_20 = tpu.memref_slice %arg5[%mul3A_2, %dma_start3A] : memref<1024x256xf32, #tpu.memory_space<hbm>> -> memref<32x256xf32, #tpu.memory_space<hbm>>
      %dma_start3A_21 = arith.constant 0 : i32
      %dma_start3A_22 = tpu.memref_slice %arg5[%mul3A_2, %dma_start3A_21] : memref<1024x256xf32, #tpu.memory_space<hbm>> -> memref<32x256xf32, #tpu.memory_space<hbm>>
      tpu.enqueue_dma source(%dma_start3A_22 : memref<32x256xf32, #tpu.memory_space<hbm>>) target(%arg15 : memref<32x256xf32, #tpu.memory_space<vmem>>) target_semaphore(%run_scoped3A : memref<!tpu.dma_semaphore, #tpu.memory_space<semaphore_mem>>)
      %dma_wait3A = arith.constant 0 : i32
      %dma_wait3A_23 = tpu.memref_slice %arg5[%mul3A_2, %dma_wait3A] : memref<1024x256xf32, #tpu.memory_space<hbm>> -> memref<32x256xf32, #tpu.memory_space<hbm>>
      %dma_wait3A_24 = arith.constant 0 : i32
      %dma_wait3A_25 = tpu.memref_slice %arg5[%mul3A_2, %dma_wait3A_24] : memref<1024x256xf32, #tpu.memory_space<hbm>> -> memref<32x256xf32, #tpu.memory_space<hbm>>
      tpu.wait_dma2 semaphore(%run_scoped3A : memref<!tpu.dma_semaphore, #tpu.memory_space<semaphore_mem>>) src(%dma_wait3A_25 : memref<32x256xf32, #tpu.memory_space<hbm>>) dst(%arg15 : memref<32x256xf32, #tpu.memory_space<vmem>>)
      tpu.yield
    }) : () -> ()
    "tpu.region"() ({
      %run_scoped3A = tpu.sem_alloc : memref<!tpu.dma_semaphore, #tpu.memory_space<semaphore_mem>>
      tpu.enqueue_dma source(%arg6 : memref<256xf32, #tpu.memory_space<hbm>>) target(%arg16 : memref<256xf32, #tpu.memory_space<vmem>>) target_semaphore(%run_scoped3A : memref<!tpu.dma_semaphore, #tpu.memory_space<semaphore_mem>>)
      tpu.wait_dma2 semaphore(%run_scoped3A : memref<!tpu.dma_semaphore, #tpu.memory_space<semaphore_mem>>) src(%arg6 : memref<256xf32, #tpu.memory_space<hbm>>) dst(%arg16 : memref<256xf32, #tpu.memory_space<vmem>>)
      tpu.yield
    }) : () -> ()
    %broadcast_in_dim3A = arith.constant 0.000000e+00 : f32
    %broadcast_in_dim3A_5 = vector.broadcast %broadcast_in_dim3A : f32 to vector<16xf32>
    %swap3A = arith.constant 0 : index
    %swap3A_6 = tpu.vector_load %arg18[%swap3A] {strides = array<i32>} : memref<16xf32, #tpu.memory_space<vmem>>, vector<16xf32>,
    tpu.vector_store %arg18[%swap3A], %broadcast_in_dim3A_5 {strides = array<i32>} : memref<16xf32, #tpu.memory_space<vmem>>, vector<16xf32>,
    %scan3A = arith.constant 0 : i32
    %scan3A_7 = arith.constant 0 : i32
    %scan3A_8 = arith.constant 4096 : i32
    %scan3A_9 = arith.addi %scan3A_7, %scan3A_8 : i32
    %scan3A_10 = arith.constant 1 : i32
    %scan3A_11 = scf.for %scan3A_20 = %scan3A_7 to %scan3A_9 step %scan3A_10 iter_args(%scan3A_21 = %scan3A) -> (i32)  : i32 {
      %broadcast_in_dim3A_22 = arith.constant 0.000000e+00 : f32
      %broadcast_in_dim3A_23 = vector.broadcast %broadcast_in_dim3A_22 : f32 to vector<16xf32>
      %mul3A_24 = arith.constant 16 : i32
      %mul3A_25 = arith.muli %scan3A_20, %mul3A_24 : i32
      %swap3A_26 = arith.index_cast %mul3A_25 : i32 to index
      %swap3A_27 = tpu.vector_load %arg10[%swap3A_26] {strides = array<i32>} : memref<65536xf32, #tpu.memory_space<vmem>>, vector<16xf32>,
      tpu.vector_store %arg10[%swap3A_26], %broadcast_in_dim3A_23 {strides = array<i32>} : memref<65536xf32, #tpu.memory_space<vmem>>, vector<16xf32>,
      %scan3A_28 = arith.constant 0 : i32
      scf.yield %scan3A_28 : i32
    }
    %scan3A_12 = arith.constant 4096 : i32
    %scan3A_13 = arith.constant 0 : i32
    %scan3A_14 = arith.constant 0 : i32
    %scan3A_15 = arith.constant 32 : i32
    %scan3A_16 = arith.addi %scan3A_14, %scan3A_15 : i32
    %scan3A_17 = arith.constant 1 : i32
    %scan3A_18 = scf.for %scan3A_20 = %scan3A_14 to %scan3A_16 step %scan3A_17 iter_args(%scan3A_21 = %scan3A_13) -> (i32)  : i32 {
      %get3A = arith.index_cast %scan3A_20 : i32 to index
      %get3A_22 = arith.constant 0 : index
      %get3A_23 = tpu.vector_load %arg13[%get3A, %get3A_22] {strides = array<i32>} : memref<32x32xi32, #tpu.memory_space<vmem>>, vector<16xi32>,
      %swap3A_24 = arith.constant 0 : index
      %swap3A_25 = tpu.vector_load %arg14[%swap3A_24] {strides = array<i32>} : memref<32xi32, #tpu.memory_space<vmem>>, vector<16xi32>,
      tpu.vector_store %arg14[%swap3A_24], %get3A_23 {strides = array<i32>} : memref<32xi32, #tpu.memory_space<vmem>>, vector<16xi32>,
      %get3A_26 = arith.index_cast %scan3A_20 : i32 to index
      %get3A_27 = arith.constant 16 : index
      %get3A_28 = tpu.vector_load %arg13[%get3A_26, %get3A_27] {strides = array<i32>} : memref<32x32xi32, #tpu.memory_space<vmem>>, vector<16xi32>,
      %swap3A_29 = arith.constant 16 : index
      %swap3A_30 = tpu.vector_load %arg14[%swap3A_29] {strides = array<i32>} : memref<32xi32, #tpu.memory_space<vmem>>, vector<16xi32>,
      tpu.vector_store %arg14[%swap3A_29], %get3A_28 {strides = array<i32>} : memref<32xi32, #tpu.memory_space<vmem>>, vector<16xi32>,
      %dma_start3A = arith.constant 0 : i32
      %dma_start3A_31 = arith.constant 0 : i32
      %dma_start3A_32 = tpu.memref_slice %arg4[%dma_start3A, %dma_start3A_31] : memref<65536x256xf32, #tpu.memory_space<hbm>> -> memref<65536x256xf32, #tpu.memory_space<hbm>>
      tpu.enqueue_indirect_dma source(%dma_start3A_32 : memref<65536x256xf32, #tpu.memory_space<hbm>>) target(%arg11 : memref<32x256xf32, #tpu.memory_space<vmem>>) offsets(%arg14 : memref<32xi32, #tpu.memory_space<vmem>>) semaphore(%arg19 : memref<!tpu.dma_semaphore, #tpu.memory_space<semaphore_mem>>)
      %get3A_33 = arith.constant 0 : index
      %get3A_34 = tpu.vector_load %arg14[%get3A_33] {strides = array<i32>} : memref<32xi32, #tpu.memory_space<vmem>>, vector<16xi32>,
      %get3A_35 = arith.constant 16 : index
      %get3A_36 = tpu.vector_load %arg14[%get3A_35] {strides = array<i32>} : memref<32xi32, #tpu.memory_space<vmem>>, vector<16xi32>,
      %mul3A_37 = arith.constant 32 : i32
      %mul3A_38 = arith.muli %scan3A_20, %mul3A_37 : i32
      %get3A_39 = arith.index_cast %mul3A_38 : i32 to index
      %get3A_40 = tpu.vector_load %arg12[%get3A_39] {strides = array<i32>} : memref<1040xf32, #tpu.memory_space<vmem>>, vector<16xf32>,
      %max3A = arith.constant 0.000000e+00 : f32
      %max3A_41 = vector.broadcast %max3A : f32 to vector<16xf32>
      %max3A_42 = arith.maximumf %get3A_40, %max3A_41 : vector<16xf32>
      %mul3A_43 = arith.constant 32 : i32
      %mul3A_44 = arith.muli %scan3A_20, %mul3A_43 : i32
      %add3A_45 = arith.constant 16 : i32
      %add3A_46 = arith.addi %mul3A_44, %add3A_45 : i32
      %get3A_47 = arith.index_cast %add3A_46 : i32 to index
      %get3A_48 = tpu.vector_load %arg12[%get3A_47] {strides = array<i32>} : memref<1040xf32, #tpu.memory_space<vmem>>, vector<16xf32>,
      %max3A_49 = arith.constant 0.000000e+00 : f32
      %max3A_50 = vector.broadcast %max3A_49 : f32 to vector<16xf32>
      %max3A_51 = arith.maximumf %get3A_48, %max3A_50 : vector<16xf32>
      tpu.vector_store_idx %arg10[%get3A_34], %max3A_42 : memref<65536xf32, #tpu.memory_space<vmem>>[vector<16xi32>], vector<16xf32>,
      tpu.vector_store_idx %arg10[%get3A_36], %max3A_51 : memref<65536xf32, #tpu.memory_space<vmem>>[vector<16xi32>], vector<16xf32>,
      %add3A_52 = arith.addi %mul3A_2, %scan3A_20 : i32
      %dma_start3A_53 = arith.constant 0 : i32
      %dma_start3A_54 = tpu.memref_slice %arg7[%add3A_52, %dma_start3A_53] : memref<1024x65536xf32, #tpu.memory_space<hbm>> -> memref<1x65536xf32, #tpu.memory_space<hbm>>
      %dma_start3A_55 = tpu.memref_squeeze %dma_start3A_54 : memref<1x65536xf32, #tpu.memory_space<hbm>> -> memref<65536xf32, #tpu.memory_space<hbm>>
      %dma_start3A_56 = arith.constant 0 : i32
      %dma_start3A_57 = tpu.memref_slice %arg7[%add3A_52, %dma_start3A_56] : memref<1024x65536xf32, #tpu.memory_space<hbm>> -> memref<1x65536xf32, #tpu.memory_space<hbm>>
      %dma_start3A_58 = tpu.memref_squeeze %dma_start3A_57 : memref<1x65536xf32, #tpu.memory_space<hbm>> -> memref<65536xf32, #tpu.memory_space<hbm>>
      tpu.enqueue_dma source(%arg10 : memref<65536xf32, #tpu.memory_space<vmem>>) target(%dma_start3A_58 : memref<65536xf32, #tpu.memory_space<hbm>>) target_semaphore(%arg20 : memref<!tpu.dma_semaphore, #tpu.memory_space<semaphore_mem>>)
      %dma_wait3A = arith.constant 0 : i32
      %dma_wait3A_59 = arith.constant 0 : i32
      %dma_wait3A_60 = tpu.memref_slice %arg4[%dma_wait3A, %dma_wait3A_59] : memref<65536x256xf32, #tpu.memory_space<hbm>> -> memref<65536x256xf32, #tpu.memory_space<hbm>>
      tpu.wait_indirect_dma semaphore(%arg19 : memref<!tpu.dma_semaphore, #tpu.memory_space<semaphore_mem>>) src(%dma_wait3A_60 : memref<65536x256xf32, #tpu.memory_space<hbm>>) dst(%arg11 : memref<32x256xf32, #tpu.memory_space<vmem>>)
      %get3A_61 = arith.constant 0 : index
      %get3A_62 = tpu.vector_load %arg16[%get3A_61] {strides = array<i32>} : memref<256xf32, #tpu.memory_space<vmem>>, vector<16xf32>,
      %swap3A_63 = arith.constant 0 : index
      %swap3A_64 = tpu.vector_load %arg17[%swap3A_63] {strides = array<i32>} : memref<256xf32, #tpu.memory_space<vmem>>, vector<16xf32>,
      tpu.vector_store %arg17[%swap3A_63], %get3A_62 {strides = array<i32>} : memref<256xf32, #tpu.memory_space<vmem>>, vector<16xf32>,
      %get3A_65 = arith.constant 16 : index
      %get3A_66 = tpu.vector_load %arg16[%get3A_65] {strides = array<i32>} : memref<256xf32, #tpu.memory_space<vmem>>, vector<16xf32>,
      %swap3A_67 = arith.constant 16 : index
      %swap3A_68 = tpu.vector_load %arg17[%swap3A_67] {strides = array<i32>} : memref<256xf32, #tpu.memory_space<vmem>>, vector<16xf32>,
      tpu.vector_store %arg17[%swap3A_67], %get3A_66 {strides = array<i32>} : memref<256xf32, #tpu.memory_space<vmem>>, vector<16xf32>,
      %get3A_69 = arith.constant 32 : index
      %get3A_70 = tpu.vector_load %arg16[%get3A_69] {strides = array<i32>} : memref<256xf32, #tpu.memory_space<vmem>>, vector<16xf32>,
      %swap3A_71 = arith.constant 32 : index
      %swap3A_72 = tpu.vector_load %arg17[%swap3A_71] {strides = array<i32>} : memref<256xf32, #tpu.memory_space<vmem>>, vector<16xf32>,
      tpu.vector_store %arg17[%swap3A_71], %get3A_70 {strides = array<i32>} : memref<256xf32, #tpu.memory_space<vmem>>, vector<16xf32>,
      %get3A_73 = arith.constant 48 : index
      %get3A_74 = tpu.vector_load %arg16[%get3A_73] {strides = array<i32>} : memref<256xf32, #tpu.memory_space<vmem>>, vector<16xf32>,
      %swap3A_75 = arith.constant 48 : index
      %swap3A_76 = tpu.vector_load %arg17[%swap3A_75] {strides = array<i32>} : memref<256xf32, #tpu.memory_space<vmem>>, vector<16xf32>,
      tpu.vector_store %arg17[%swap3A_75], %get3A_74 {strides = array<i32>} : memref<256xf32, #tpu.memory_space<vmem>>, vector<16xf32>,
      %get3A_77 = arith.constant 64 : index
      %get3A_78 = tpu.vector_load %arg16[%get3A_77] {strides = array<i32>} : memref<256xf32, #tpu.memory_space<vmem>>, vector<16xf32>,
      %swap3A_79 = arith.constant 64 : index
      %swap3A_80 = tpu.vector_load %arg17[%swap3A_79] {strides = array<i32>} : memref<256xf32, #tpu.memory_space<vmem>>, vector<16xf32>,
      tpu.vector_store %arg17[%swap3A_79], %get3A_78 {strides = array<i32>} : memref<256xf32, #tpu.memory_space<vmem>>, vector<16xf32>,
      %get3A_81 = arith.constant 80 : index
      %get3A_82 = tpu.vector_load %arg16[%get3A_81] {strides = array<i32>} : memref<256xf32, #tpu.memory_space<vmem>>, vector<16xf32>,
      %swap3A_83 = arith.constant 80 : index
      %swap3A_84 = tpu.vector_load %arg17[%swap3A_83] {strides = array<i32>} : memref<256xf32, #tpu.memory_space<vmem>>, vector<16xf32>,
      tpu.vector_store %arg17[%swap3A_83], %get3A_82 {strides = array<i32>} : memref<256xf32, #tpu.memory_space<vmem>>, vector<16xf32>,
      %get3A_85 = arith.constant 96 : index
      %get3A_86 = tpu.vector_load %arg16[%get3A_85] {strides = array<i32>} : memref<256xf32, #tpu.memory_space<vmem>>, vector<16xf32>,
      %swap3A_87 = arith.constant 96 : index
      %swap3A_88 = tpu.vector_load %arg17[%swap3A_87] {strides = array<i32>} : memref<256xf32, #tpu.memory_space<vmem>>, vector<16xf32>,
      tpu.vector_store %arg17[%swap3A_87], %get3A_86 {strides = array<i32>} : memref<256xf32, #tpu.memory_space<vmem>>, vector<16xf32>,
      %get3A_89 = arith.constant 112 : index
      %get3A_90 = tpu.vector_load %arg16[%get3A_89] {strides = array<i32>} : memref<256xf32, #tpu.memory_space<vmem>>, vector<16xf32>,
      %swap3A_91 = arith.constant 112 : index
      %swap3A_92 = tpu.vector_load %arg17[%swap3A_91] {strides = array<i32>} : memref<256xf32, #tpu.memory_space<vmem>>, vector<16xf32>,
      tpu.vector_store %arg17[%swap3A_91], %get3A_90 {strides = array<i32>} : memref<256xf32, #tpu.memory_space<vmem>>, vector<16xf32>,
      %get3A_93 = arith.constant 128 : index
      %get3A_94 = tpu.vector_load %arg16[%get3A_93] {strides = array<i32>} : memref<256xf32, #tpu.memory_space<vmem>>, vector<16xf32>,
      %swap3A_95 = arith.constant 128 : index
      %swap3A_96 = tpu.vector_load %arg17[%swap3A_95] {strides = array<i32>} : memref<256xf32, #tpu.memory_space<vmem>>, vector<16xf32>,
      tpu.vector_store %arg17[%swap3A_95], %get3A_94 {strides = array<i32>} : memref<256xf32, #tpu.memory_space<vmem>>, vector<16xf32>,
      %get3A_97 = arith.constant 144 : index
      %get3A_98 = tpu.vector_load %arg16[%get3A_97] {strides = array<i32>} : memref<256xf32, #tpu.memory_space<vmem>>, vector<16xf32>,
      %swap3A_99 = arith.constant 144 : index
      %swap3A_100 = tpu.vector_load %arg17[%swap3A_99] {strides = array<i32>} : memref<256xf32, #tpu.memory_space<vmem>>, vector<16xf32>,
      tpu.vector_store %arg17[%swap3A_99], %get3A_98 {strides = array<i32>} : memref<256xf32, #tpu.memory_space<vmem>>, vector<16xf32>,
      %get3A_101 = arith.constant 160 : index
      %get3A_102 = tpu.vector_load %arg16[%get3A_101] {strides = array<i32>} : memref<256xf32, #tpu.memory_space<vmem>>, vector<16xf32>,
      %swap3A_103 = arith.constant 160 : index
      %swap3A_104 = tpu.vector_load %arg17[%swap3A_103] {strides = array<i32>} : memref<256xf32, #tpu.memory_space<vmem>>, vector<16xf32>,
      tpu.vector_store %arg17[%swap3A_103], %get3A_102 {strides = array<i32>} : memref<256xf32, #tpu.memory_space<vmem>>, vector<16xf32>,
      %get3A_105 = arith.constant 176 : index
      %get3A_106 = tpu.vector_load %arg16[%get3A_105] {strides = array<i32>} : memref<256xf32, #tpu.memory_space<vmem>>, vector<16xf32>,
      %swap3A_107 = arith.constant 176 : index
      %swap3A_108 = tpu.vector_load %arg17[%swap3A_107] {strides = array<i32>} : memref<256xf32, #tpu.memory_space<vmem>>, vector<16xf32>,
      tpu.vector_store %arg17[%swap3A_107], %get3A_106 {strides = array<i32>} : memref<256xf32, #tpu.memory_space<vmem>>, vector<16xf32>,
      %get3A_109 = arith.constant 192 : index
      %get3A_110 = tpu.vector_load %arg16[%get3A_109] {strides = array<i32>} : memref<256xf32, #tpu.memory_space<vmem>>, vector<16xf32>,
      %swap3A_111 = arith.constant 192 : index
      %swap3A_112 = tpu.vector_load %arg17[%swap3A_111] {strides = array<i32>} : memref<256xf32, #tpu.memory_space<vmem>>, vector<16xf32>,
      tpu.vector_store %arg17[%swap3A_111], %get3A_110 {strides = array<i32>} : memref<256xf32, #tpu.memory_space<vmem>>, vector<16xf32>,
      %get3A_113 = arith.constant 208 : index
      %get3A_114 = tpu.vector_load %arg16[%get3A_113] {strides = array<i32>} : memref<256xf32, #tpu.memory_space<vmem>>, vector<16xf32>,
      %swap3A_115 = arith.constant 208 : index
      %swap3A_116 = tpu.vector_load %arg17[%swap3A_115] {strides = array<i32>} : memref<256xf32, #tpu.memory_space<vmem>>, vector<16xf32>,
      tpu.vector_store %arg17[%swap3A_115], %get3A_114 {strides = array<i32>} : memref<256xf32, #tpu.memory_space<vmem>>, vector<16xf32>,
      %get3A_117 = arith.constant 224 : index
      %get3A_118 = tpu.vector_load %arg16[%get3A_117] {strides = array<i32>} : memref<256xf32, #tpu.memory_space<vmem>>, vector<16xf32>,
      %swap3A_119 = arith.constant 224 : index
      %swap3A_120 = tpu.vector_load %arg17[%swap3A_119] {strides = array<i32>} : memref<256xf32, #tpu.memory_space<vmem>>, vector<16xf32>,
      tpu.vector_store %arg17[%swap3A_119], %get3A_118 {strides = array<i32>} : memref<256xf32, #tpu.memory_space<vmem>>, vector<16xf32>,
      %get3A_121 = arith.constant 240 : index
      %get3A_122 = tpu.vector_load %arg16[%get3A_121] {strides = array<i32>} : memref<256xf32, #tpu.memory_space<vmem>>, vector<16xf32>,
      %swap3A_123 = arith.constant 240 : index
      %swap3A_124 = tpu.vector_load %arg17[%swap3A_123] {strides = array<i32>} : memref<256xf32, #tpu.memory_space<vmem>>, vector<16xf32>,
      tpu.vector_store %arg17[%swap3A_123], %get3A_122 {strides = array<i32>} : memref<256xf32, #tpu.memory_space<vmem>>, vector<16xf32>,
      %scan3A_125 = arith.constant 0 : i32
      %scan3A_126 = arith.constant 0 : i32
      %scan3A_127 = arith.constant 32 : i32
      %scan3A_128 = arith.addi %scan3A_126, %scan3A_127 : i32
      %scan3A_129 = arith.constant 1 : i32
      %scan3A_130 = scf.for %scan3A_333 = %scan3A_126 to %scan3A_128 step %scan3A_129 iter_args(%scan3A_334 = %scan3A_125) -> (i32)  : i32 {
        %mul3A_335 = arith.constant 32 : i32
        %mul3A_336 = arith.muli %scan3A_20, %mul3A_335 : i32
        %add3A_337 = arith.addi %mul3A_336, %scan3A_333 : i32
        %get3A_338 = arith.index_cast %add3A_337 : i32 to index
        %get3A_339 = tpu.vector_load %arg12[%get3A_338] {strides = array<i32>} : memref<1040xf32, #tpu.memory_space<vmem>>, vector<16xf32>,
        %slice3A = vector.extract_strided_slice %get3A_339 {offsets = [0], sizes = [1], strides = [1]} : vector<16xf32> to vector<1xf32>
        %squeeze3A = vector.extract %slice3A[0] : f32 from vector<1xf32>
        %max3A_340 = arith.constant 0.000000e+00 : f32
        %max3A_341 = arith.maximumf %squeeze3A, %max3A_340 : f32
        %broadcast_in_dim3A_342 = vector.broadcast %max3A_341 : f32 to vector<16xf32>
        %get3A_343 = arith.constant 0 : index
        %get3A_344 = tpu.vector_load %arg17[%get3A_343] {strides = array<i32>} : memref<256xf32, #tpu.memory_space<vmem>>, vector<16xf32>,
        %get3A_345 = arith.index_cast %scan3A_333 : i32 to index
        %get3A_346 = arith.constant 0 : index
        %get3A_347 = tpu.vector_load %arg11[%get3A_345, %get3A_346] {strides = array<i32>} : memref<32x256xf32, #tpu.memory_space<vmem>>, vector<16xf32>,
        %mul3A_348 = arith.mulf %broadcast_in_dim3A_342, %get3A_347 : vector<16xf32>
        %add3A_349 = arith.addf %get3A_344, %mul3A_348 : vector<16xf32>
        %swap3A_350 = arith.constant 0 : index
        %swap3A_351 = tpu.vector_load %arg17[%swap3A_350] {strides = array<i32>} : memref<256xf32, #tpu.memory_space<vmem>>, vector<16xf32>,
        tpu.vector_store %arg17[%swap3A_350], %add3A_349 {strides = array<i32>} : memref<256xf32, #tpu.memory_space<vmem>>, vector<16xf32>,
        %get3A_352 = arith.constant 16 : index
        %get3A_353 = tpu.vector_load %arg17[%get3A_352] {strides = array<i32>} : memref<256xf32, #tpu.memory_space<vmem>>, vector<16xf32>,
        %get3A_354 = arith.index_cast %scan3A_333 : i32 to index
        %get3A_355 = arith.constant 16 : index
        %get3A_356 = tpu.vector_load %arg11[%get3A_354, %get3A_355] {strides = array<i32>} : memref<32x256xf32, #tpu.memory_space<vmem>>, vector<16xf32>,
        %mul3A_357 = arith.mulf %broadcast_in_dim3A_342, %get3A_356 : vector<16xf32>
        %add3A_358 = arith.addf %get3A_353, %mul3A_357 : vector<16xf32>
        %swap3A_359 = arith.constant 16 : index
        %swap3A_360 = tpu.vector_load %arg17[%swap3A_359] {strides = array<i32>} : memref<256xf32, #tpu.memory_space<vmem>>, vector<16xf32>,
        tpu.vector_store %arg17[%swap3A_359], %add3A_358 {strides = array<i32>} : memref<256xf32, #tpu.memory_space<vmem>>, vector<16xf32>,
        %get3A_361 = arith.constant 32 : index
        %get3A_362 = tpu.vector_load %arg17[%get3A_361] {strides = array<i32>} : memref<256xf32, #tpu.memory_space<vmem>>, vector<16xf32>,
        %get3A_363 = arith.index_cast %scan3A_333 : i32 to index
        %get3A_364 = arith.constant 32 : index
        %get3A_365 = tpu.vector_load %arg11[%get3A_363, %get3A_364] {strides = array<i32>} : memref<32x256xf32, #tpu.memory_space<vmem>>, vector<16xf32>,
        %mul3A_366 = arith.mulf %broadcast_in_dim3A_342, %get3A_365 : vector<16xf32>
        %add3A_367 = arith.addf %get3A_362, %mul3A_366 : vector<16xf32>
        %swap3A_368 = arith.constant 32 : index
        %swap3A_369 = tpu.vector_load %arg17[%swap3A_368] {strides = array<i32>} : memref<256xf32, #tpu.memory_space<vmem>>, vector<16xf32>,
        tpu.vector_store %arg17[%swap3A_368], %add3A_367 {strides = array<i32>} : memref<256xf32, #tpu.memory_space<vmem>>, vector<16xf32>,
        %get3A_370 = arith.constant 48 : index
        %get3A_371 = tpu.vector_load %arg17[%get3A_370] {strides = array<i32>} : memref<256xf32, #tpu.memory_space<vmem>>, vector<16xf32>,
        %get3A_372 = arith.index_cast %scan3A_333 : i32 to index
        %get3A_373 = arith.constant 48 : index
        %get3A_374 = tpu.vector_load %arg11[%get3A_372, %get3A_373] {strides = array<i32>} : memref<32x256xf32, #tpu.memory_space<vmem>>, vector<16xf32>,
        %mul3A_375 = arith.mulf %broadcast_in_dim3A_342, %get3A_374 : vector<16xf32>
        %add3A_376 = arith.addf %get3A_371, %mul3A_375 : vector<16xf32>
        %swap3A_377 = arith.constant 48 : index
        %swap3A_378 = tpu.vector_load %arg17[%swap3A_377] {strides = array<i32>} : memref<256xf32, #tpu.memory_space<vmem>>, vector<16xf32>,
        tpu.vector_store %arg17[%swap3A_377], %add3A_376 {strides = array<i32>} : memref<256xf32, #tpu.memory_space<vmem>>, vector<16xf32>,
        %get3A_379 = arith.constant 64 : index
        %get3A_380 = tpu.vector_load %arg17[%get3A_379] {strides = array<i32>} : memref<256xf32, #tpu.memory_space<vmem>>, vector<16xf32>,
        %get3A_381 = arith.index_cast %scan3A_333 : i32 to index
        %get3A_382 = arith.constant 64 : index
        %get3A_383 = tpu.vector_load %arg11[%get3A_381, %get3A_382] {strides = array<i32>} : memref<32x256xf32, #tpu.memory_space<vmem>>, vector<16xf32>,
        %mul3A_384 = arith.mulf %broadcast_in_dim3A_342, %get3A_383 : vector<16xf32>
        %add3A_385 = arith.addf %get3A_380, %mul3A_384 : vector<16xf32>
        %swap3A_386 = arith.constant 64 : index
        %swap3A_387 = tpu.vector_load %arg17[%swap3A_386] {strides = array<i32>} : memref<256xf32, #tpu.memory_space<vmem>>, vector<16xf32>,
        tpu.vector_store %arg17[%swap3A_386], %add3A_385 {strides = array<i32>} : memref<256xf32, #tpu.memory_space<vmem>>, vector<16xf32>,
        %get3A_388 = arith.constant 80 : index
        %get3A_389 = tpu.vector_load %arg17[%get3A_388] {strides = array<i32>} : memref<256xf32, #tpu.memory_space<vmem>>, vector<16xf32>,
        %get3A_390 = arith.index_cast %scan3A_333 : i32 to index
        %get3A_391 = arith.constant 80 : index
        %get3A_392 = tpu.vector_load %arg11[%get3A_390, %get3A_391] {strides = array<i32>} : memref<32x256xf32, #tpu.memory_space<vmem>>, vector<16xf32>,
        %mul3A_393 = arith.mulf %broadcast_in_dim3A_342, %get3A_392 : vector<16xf32>
        %add3A_394 = arith.addf %get3A_389, %mul3A_393 : vector<16xf32>
        %swap3A_395 = arith.constant 80 : index
        %swap3A_396 = tpu.vector_load %arg17[%swap3A_395] {strides = array<i32>} : memref<256xf32, #tpu.memory_space<vmem>>, vector<16xf32>,
        tpu.vector_store %arg17[%swap3A_395], %add3A_394 {strides = array<i32>} : memref<256xf32, #tpu.memory_space<vmem>>, vector<16xf32>,
        %get3A_397 = arith.constant 96 : index
        %get3A_398 = tpu.vector_load %arg17[%get3A_397] {strides = array<i32>} : memref<256xf32, #tpu.memory_space<vmem>>, vector<16xf32>,
        %get3A_399 = arith.index_cast %scan3A_333 : i32 to index
        %get3A_400 = arith.constant 96 : index
        %get3A_401 = tpu.vector_load %arg11[%get3A_399, %get3A_400] {strides = array<i32>} : memref<32x256xf32, #tpu.memory_space<vmem>>, vector<16xf32>,
        %mul3A_402 = arith.mulf %broadcast_in_dim3A_342, %get3A_401 : vector<16xf32>
        %add3A_403 = arith.addf %get3A_398, %mul3A_402 : vector<16xf32>
        %swap3A_404 = arith.constant 96 : index
        %swap3A_405 = tpu.vector_load %arg17[%swap3A_404] {strides = array<i32>} : memref<256xf32, #tpu.memory_space<vmem>>, vector<16xf32>,
        tpu.vector_store %arg17[%swap3A_404], %add3A_403 {strides = array<i32>} : memref<256xf32, #tpu.memory_space<vmem>>, vector<16xf32>,
        %get3A_406 = arith.constant 112 : index
        %get3A_407 = tpu.vector_load %arg17[%get3A_406] {strides = array<i32>} : memref<256xf32, #tpu.memory_space<vmem>>, vector<16xf32>,
        %get3A_408 = arith.index_cast %scan3A_333 : i32 to index
        %get3A_409 = arith.constant 112 : index
        %get3A_410 = tpu.vector_load %arg11[%get3A_408, %get3A_409] {strides = array<i32>} : memref<32x256xf32, #tpu.memory_space<vmem>>, vector<16xf32>,
        %mul3A_411 = arith.mulf %broadcast_in_dim3A_342, %get3A_410 : vector<16xf32>
        %add3A_412 = arith.addf %get3A_407, %mul3A_411 : vector<16xf32>
        %swap3A_413 = arith.constant 112 : index
        %swap3A_414 = tpu.vector_load %arg17[%swap3A_413] {strides = array<i32>} : memref<256xf32, #tpu.memory_space<vmem>>, vector<16xf32>,
        tpu.vector_store %arg17[%swap3A_413], %add3A_412 {strides = array<i32>} : memref<256xf32, #tpu.memory_space<vmem>>, vector<16xf32>,
        %get3A_415 = arith.constant 128 : index
        %get3A_416 = tpu.vector_load %arg17[%get3A_415] {strides = array<i32>} : memref<256xf32, #tpu.memory_space<vmem>>, vector<16xf32>,
        %get3A_417 = arith.index_cast %scan3A_333 : i32 to index
        %get3A_418 = arith.constant 128 : index
        %get3A_419 = tpu.vector_load %arg11[%get3A_417, %get3A_418] {strides = array<i32>} : memref<32x256xf32, #tpu.memory_space<vmem>>, vector<16xf32>,
        %mul3A_420 = arith.mulf %broadcast_in_dim3A_342, %get3A_419 : vector<16xf32>
        %add3A_421 = arith.addf %get3A_416, %mul3A_420 : vector<16xf32>
        %swap3A_422 = arith.constant 128 : index
        %swap3A_423 = tpu.vector_load %arg17[%swap3A_422] {strides = array<i32>} : memref<256xf32, #tpu.memory_space<vmem>>, vector<16xf32>,
        tpu.vector_store %arg17[%swap3A_422], %add3A_421 {strides = array<i32>} : memref<256xf32, #tpu.memory_space<vmem>>, vector<16xf32>,
        %get3A_424 = arith.constant 144 : index
        %get3A_425 = tpu.vector_load %arg17[%get3A_424] {strides = array<i32>} : memref<256xf32, #tpu.memory_space<vmem>>, vector<16xf32>,
        %get3A_426 = arith.index_cast %scan3A_333 : i32 to index
        %get3A_427 = arith.constant 144 : index
        %get3A_428 = tpu.vector_load %arg11[%get3A_426, %get3A_427] {strides = array<i32>} : memref<32x256xf32, #tpu.memory_space<vmem>>, vector<16xf32>,
        %mul3A_429 = arith.mulf %broadcast_in_dim3A_342, %get3A_428 : vector<16xf32>
        %add3A_430 = arith.addf %get3A_425, %mul3A_429 : vector<16xf32>
        %swap3A_431 = arith.constant 144 : index
        %swap3A_432 = tpu.vector_load %arg17[%swap3A_431] {strides = array<i32>} : memref<256xf32, #tpu.memory_space<vmem>>, vector<16xf32>,
        tpu.vector_store %arg17[%swap3A_431], %add3A_430 {strides = array<i32>} : memref<256xf32, #tpu.memory_space<vmem>>, vector<16xf32>,
        %get3A_433 = arith.constant 160 : index
        %get3A_434 = tpu.vector_load %arg17[%get3A_433] {strides = array<i32>} : memref<256xf32, #tpu.memory_space<vmem>>, vector<16xf32>,
        %get3A_435 = arith.index_cast %scan3A_333 : i32 to index
        %get3A_436 = arith.constant 160 : index
        %get3A_437 = tpu.vector_load %arg11[%get3A_435, %get3A_436] {strides = array<i32>} : memref<32x256xf32, #tpu.memory_space<vmem>>, vector<16xf32>,
        %mul3A_438 = arith.mulf %broadcast_in_dim3A_342, %get3A_437 : vector<16xf32>
        %add3A_439 = arith.addf %get3A_434, %mul3A_438 : vector<16xf32>
        %swap3A_440 = arith.constant 160 : index
        %swap3A_441 = tpu.vector_load %arg17[%swap3A_440] {strides = array<i32>} : memref<256xf32, #tpu.memory_space<vmem>>, vector<16xf32>,
        tpu.vector_store %arg17[%swap3A_440], %add3A_439 {strides = array<i32>} : memref<256xf32, #tpu.memory_space<vmem>>, vector<16xf32>,
        %get3A_442 = arith.constant 176 : index
        %get3A_443 = tpu.vector_load %arg17[%get3A_442] {strides = array<i32>} : memref<256xf32, #tpu.memory_space<vmem>>, vector<16xf32>,
        %get3A_444 = arith.index_cast %scan3A_333 : i32 to index
        %get3A_445 = arith.constant 176 : index
        %get3A_446 = tpu.vector_load %arg11[%get3A_444, %get3A_445] {strides = array<i32>} : memref<32x256xf32, #tpu.memory_space<vmem>>, vector<16xf32>,
        %mul3A_447 = arith.mulf %broadcast_in_dim3A_342, %get3A_446 : vector<16xf32>
        %add3A_448 = arith.addf %get3A_443, %mul3A_447 : vector<16xf32>
        %swap3A_449 = arith.constant 176 : index
        %swap3A_450 = tpu.vector_load %arg17[%swap3A_449] {strides = array<i32>} : memref<256xf32, #tpu.memory_space<vmem>>, vector<16xf32>,
        tpu.vector_store %arg17[%swap3A_449], %add3A_448 {strides = array<i32>} : memref<256xf32, #tpu.memory_space<vmem>>, vector<16xf32>,
        %get3A_451 = arith.constant 192 : index
        %get3A_452 = tpu.vector_load %arg17[%get3A_451] {strides = array<i32>} : memref<256xf32, #tpu.memory_space<vmem>>, vector<16xf32>,
        %get3A_453 = arith.index_cast %scan3A_333 : i32 to index
        %get3A_454 = arith.constant 192 : index
        %get3A_455 = tpu.vector_load %arg11[%get3A_453, %get3A_454] {strides = array<i32>} : memref<32x256xf32, #tpu.memory_space<vmem>>, vector<16xf32>,
        %mul3A_456 = arith.mulf %broadcast_in_dim3A_342, %get3A_455 : vector<16xf32>
        %add3A_457 = arith.addf %get3A_452, %mul3A_456 : vector<16xf32>
        %swap3A_458 = arith.constant 192 : index
        %swap3A_459 = tpu.vector_load %arg17[%swap3A_458] {strides = array<i32>} : memref<256xf32, #tpu.memory_space<vmem>>, vector<16xf32>,
        tpu.vector_store %arg17[%swap3A_458], %add3A_457 {strides = array<i32>} : memref<256xf32, #tpu.memory_space<vmem>>, vector<16xf32>,
        %get3A_460 = arith.constant 208 : index
        %get3A_461 = tpu.vector_load %arg17[%get3A_460] {strides = array<i32>} : memref<256xf32, #tpu.memory_space<vmem>>, vector<16xf32>,
        %get3A_462 = arith.index_cast %scan3A_333 : i32 to index
        %get3A_463 = arith.constant 208 : index
        %get3A_464 = tpu.vector_load %arg11[%get3A_462, %get3A_463] {strides = array<i32>} : memref<32x256xf32, #tpu.memory_space<vmem>>, vector<16xf32>,
        %mul3A_465 = arith.mulf %broadcast_in_dim3A_342, %get3A_464 : vector<16xf32>
        %add3A_466 = arith.addf %get3A_461, %mul3A_465 : vector<16xf32>
        %swap3A_467 = arith.constant 208 : index
        %swap3A_468 = tpu.vector_load %arg17[%swap3A_467] {strides = array<i32>} : memref<256xf32, #tpu.memory_space<vmem>>, vector<16xf32>,
        tpu.vector_store %arg17[%swap3A_467], %add3A_466 {strides = array<i32>} : memref<256xf32, #tpu.memory_space<vmem>>, vector<16xf32>,
        %get3A_469 = arith.constant 224 : index
        %get3A_470 = tpu.vector_load %arg17[%get3A_469] {strides = array<i32>} : memref<256xf32, #tpu.memory_space<vmem>>, vector<16xf32>,
        %get3A_471 = arith.index_cast %scan3A_333 : i32 to index
        %get3A_472 = arith.constant 224 : index
        %get3A_473 = tpu.vector_load %arg11[%get3A_471, %get3A_472] {strides = array<i32>} : memref<32x256xf32, #tpu.memory_space<vmem>>, vector<16xf32>,
        %mul3A_474 = arith.mulf %broadcast_in_dim3A_342, %get3A_473 : vector<16xf32>
        %add3A_475 = arith.addf %get3A_470, %mul3A_474 : vector<16xf32>
        %swap3A_476 = arith.constant 224 : index
        %swap3A_477 = tpu.vector_load %arg17[%swap3A_476] {strides = array<i32>} : memref<256xf32, #tpu.memory_space<vmem>>, vector<16xf32>,
        tpu.vector_store %arg17[%swap3A_476], %add3A_475 {strides = array<i32>} : memref<256xf32, #tpu.memory_space<vmem>>, vector<16xf32>,
        %get3A_478 = arith.constant 240 : index
        %get3A_479 = tpu.vector_load %arg17[%get3A_478] {strides = array<i32>} : memref<256xf32, #tpu.memory_space<vmem>>, vector<16xf32>,
        %get3A_480 = arith.index_cast %scan3A_333 : i32 to index
        %get3A_481 = arith.constant 240 : index
        %get3A_482 = tpu.vector_load %arg11[%get3A_480, %get3A_481] {strides = array<i32>} : memref<32x256xf32, #tpu.memory_space<vmem>>, vector<16xf32>,
        %mul3A_483 = arith.mulf %broadcast_in_dim3A_342, %get3A_482 : vector<16xf32>
        %add3A_484 = arith.addf %get3A_479, %mul3A_483 : vector<16xf32>
        %swap3A_485 = arith.constant 240 : index
        %swap3A_486 = tpu.vector_load %arg17[%swap3A_485] {strides = array<i32>} : memref<256xf32, #tpu.memory_space<vmem>>, vector<16xf32>,
        tpu.vector_store %arg17[%swap3A_485], %add3A_484 {strides = array<i32>} : memref<256xf32, #tpu.memory_space<vmem>>, vector<16xf32>,
        %scan3A_487 = arith.constant 0 : i32
        scf.yield %scan3A_487 : i32
      }
      %scan3A_131 = arith.constant 32 : i32
      %get3A_132 = arith.constant 0 : index
      %get3A_133 = tpu.vector_load %arg17[%get3A_132] {strides = array<i32>} : memref<256xf32, #tpu.memory_space<vmem>>, vector<16xf32>,
      %get3A_134 = arith.index_cast %scan3A_20 : i32 to index
      %get3A_135 = arith.constant 0 : index
      %get3A_136 = tpu.vector_load %arg15[%get3A_134, %get3A_135] {strides = array<i32>} : memref<32x256xf32, #tpu.memory_space<vmem>>, vector<16xf32>,
      %sub3A = arith.subf %get3A_133, %get3A_136 : vector<16xf32>
      %get3A_137 = arith.constant 0 : index
      %get3A_138 = tpu.vector_load %arg18[%get3A_137] {strides = array<i32>} : memref<16xf32, #tpu.memory_space<vmem>>, vector<16xf32>,
      %mul3A_139 = arith.mulf %sub3A, %sub3A : vector<16xf32>
      %add3A_140 = arith.addf %get3A_138, %mul3A_139 : vector<16xf32>
      %swap3A_141 = arith.constant 0 : index
      %swap3A_142 = tpu.vector_load %arg18[%swap3A_141] {strides = array<i32>} : memref<16xf32, #tpu.memory_space<vmem>>, vector<16xf32>,
      tpu.vector_store %arg18[%swap3A_141], %add3A_140 {strides = array<i32>} : memref<16xf32, #tpu.memory_space<vmem>>, vector<16xf32>,
      %get3A_143 = arith.constant 16 : index
      %get3A_144 = tpu.vector_load %arg17[%get3A_143] {strides = array<i32>} : memref<256xf32, #tpu.memory_space<vmem>>, vector<16xf32>,
      %get3A_145 = arith.index_cast %scan3A_20 : i32 to index
      %get3A_146 = arith.constant 16 : index
      %get3A_147 = tpu.vector_load %arg15[%get3A_145, %get3A_146] {strides = array<i32>} : memref<32x256xf32, #tpu.memory_space<vmem>>, vector<16xf32>,
      %sub3A_148 = arith.subf %get3A_144, %get3A_147 : vector<16xf32>
      %get3A_149 = arith.constant 0 : index
      %get3A_150 = tpu.vector_load %arg18[%get3A_149] {strides = array<i32>} : memref<16xf32, #tpu.memory_space<vmem>>, vector<16xf32>,
      %mul3A_151 = arith.mulf %sub3A_148, %sub3A_148 : vector<16xf32>
      %add3A_152 = arith.addf %get3A_150, %mul3A_151 : vector<16xf32>
      %swap3A_153 = arith.constant 0 : index
      %swap3A_154 = tpu.vector_load %arg18[%swap3A_153] {strides = array<i32>} : memref<16xf32, #tpu.memory_space<vmem>>, vector<16xf32>,
      tpu.vector_store %arg18[%swap3A_153], %add3A_152 {strides = array<i32>} : memref<16xf32, #tpu.memory_space<vmem>>, vector<16xf32>,
      %get3A_155 = arith.constant 32 : index
      %get3A_156 = tpu.vector_load %arg17[%get3A_155] {strides = array<i32>} : memref<256xf32, #tpu.memory_space<vmem>>, vector<16xf32>,
      %get3A_157 = arith.index_cast %scan3A_20 : i32 to index
      %get3A_158 = arith.constant 32 : index
      %get3A_159 = tpu.vector_load %arg15[%get3A_157, %get3A_158] {strides = array<i32>} : memref<32x256xf32, #tpu.memory_space<vmem>>, vector<16xf32>,
      %sub3A_160 = arith.subf %get3A_156, %get3A_159 : vector<16xf32>
      %get3A_161 = arith.constant 0 : index
      %get3A_162 = tpu.vector_load %arg18[%get3A_161] {strides = array<i32>} : memref<16xf32, #tpu.memory_space<vmem>>, vector<16xf32>,
      %mul3A_163 = arith.mulf %sub3A_160, %sub3A_160 : vector<16xf32>
      %add3A_164 = arith.addf %get3A_162, %mul3A_163 : vector<16xf32>
      %swap3A_165 = arith.constant 0 : index
      %swap3A_166 = tpu.vector_load %arg18[%swap3A_165] {strides = array<i32>} : memref<16xf32, #tpu.memory_space<vmem>>, vector<16xf32>,
      tpu.vector_store %arg18[%swap3A_165], %add3A_164 {strides = array<i32>} : memref<16xf32, #tpu.memory_space<vmem>>, vector<16xf32>,
      %get3A_167 = arith.constant 48 : index
      %get3A_168 = tpu.vector_load %arg17[%get3A_167] {strides = array<i32>} : memref<256xf32, #tpu.memory_space<vmem>>, vector<16xf32>,
      %get3A_169 = arith.index_cast %scan3A_20 : i32 to index
      %get3A_170 = arith.constant 48 : index
      %get3A_171 = tpu.vector_load %arg15[%get3A_169, %get3A_170] {strides = array<i32>} : memref<32x256xf32, #tpu.memory_space<vmem>>, vector<16xf32>,
      %sub3A_172 = arith.subf %get3A_168, %get3A_171 : vector<16xf32>
      %get3A_173 = arith.constant 0 : index
      %get3A_174 = tpu.vector_load %arg18[%get3A_173] {strides = array<i32>} : memref<16xf32, #tpu.memory_space<vmem>>, vector<16xf32>,
      %mul3A_175 = arith.mulf %sub3A_172, %sub3A_172 : vector<16xf32>
      %add3A_176 = arith.addf %get3A_174, %mul3A_175 : vector<16xf32>
      %swap3A_177 = arith.constant 0 : index
      %swap3A_178 = tpu.vector_load %arg18[%swap3A_177] {strides = array<i32>} : memref<16xf32, #tpu.memory_space<vmem>>, vector<16xf32>,
      tpu.vector_store %arg18[%swap3A_177], %add3A_176 {strides = array<i32>} : memref<16xf32, #tpu.memory_space<vmem>>, vector<16xf32>,
      %get3A_179 = arith.constant 64 : index
      %get3A_180 = tpu.vector_load %arg17[%get3A_179] {strides = array<i32>} : memref<256xf32, #tpu.memory_space<vmem>>, vector<16xf32>,
      %get3A_181 = arith.index_cast %scan3A_20 : i32 to index
      %get3A_182 = arith.constant 64 : index
      %get3A_183 = tpu.vector_load %arg15[%get3A_181, %get3A_182] {strides = array<i32>} : memref<32x256xf32, #tpu.memory_space<vmem>>, vector<16xf32>,
      %sub3A_184 = arith.subf %get3A_180, %get3A_183 : vector<16xf32>
      %get3A_185 = arith.constant 0 : index
      %get3A_186 = tpu.vector_load %arg18[%get3A_185] {strides = array<i32>} : memref<16xf32, #tpu.memory_space<vmem>>, vector<16xf32>,
      %mul3A_187 = arith.mulf %sub3A_184, %sub3A_184 : vector<16xf32>
      %add3A_188 = arith.addf %get3A_186, %mul3A_187 : vector<16xf32>
      %swap3A_189 = arith.constant 0 : index
      %swap3A_190 = tpu.vector_load %arg18[%swap3A_189] {strides = array<i32>} : memref<16xf32, #tpu.memory_space<vmem>>, vector<16xf32>,
      tpu.vector_store %arg18[%swap3A_189], %add3A_188 {strides = array<i32>} : memref<16xf32, #tpu.memory_space<vmem>>, vector<16xf32>,
      %get3A_191 = arith.constant 80 : index
      %get3A_192 = tpu.vector_load %arg17[%get3A_191] {strides = array<i32>} : memref<256xf32, #tpu.memory_space<vmem>>, vector<16xf32>,
      %get3A_193 = arith.index_cast %scan3A_20 : i32 to index
      %get3A_194 = arith.constant 80 : index
      %get3A_195 = tpu.vector_load %arg15[%get3A_193, %get3A_194] {strides = array<i32>} : memref<32x256xf32, #tpu.memory_space<vmem>>, vector<16xf32>,
      %sub3A_196 = arith.subf %get3A_192, %get3A_195 : vector<16xf32>
      %get3A_197 = arith.constant 0 : index
      %get3A_198 = tpu.vector_load %arg18[%get3A_197] {strides = array<i32>} : memref<16xf32, #tpu.memory_space<vmem>>, vector<16xf32>,
      %mul3A_199 = arith.mulf %sub3A_196, %sub3A_196 : vector<16xf32>
      %add3A_200 = arith.addf %get3A_198, %mul3A_199 : vector<16xf32>
      %swap3A_201 = arith.constant 0 : index
      %swap3A_202 = tpu.vector_load %arg18[%swap3A_201] {strides = array<i32>} : memref<16xf32, #tpu.memory_space<vmem>>, vector<16xf32>,
      tpu.vector_store %arg18[%swap3A_201], %add3A_200 {strides = array<i32>} : memref<16xf32, #tpu.memory_space<vmem>>, vector<16xf32>,
      %get3A_203 = arith.constant 96 : index
      %get3A_204 = tpu.vector_load %arg17[%get3A_203] {strides = array<i32>} : memref<256xf32, #tpu.memory_space<vmem>>, vector<16xf32>,
      %get3A_205 = arith.index_cast %scan3A_20 : i32 to index
      %get3A_206 = arith.constant 96 : index
      %get3A_207 = tpu.vector_load %arg15[%get3A_205, %get3A_206] {strides = array<i32>} : memref<32x256xf32, #tpu.memory_space<vmem>>, vector<16xf32>,
      %sub3A_208 = arith.subf %get3A_204, %get3A_207 : vector<16xf32>
      %get3A_209 = arith.constant 0 : index
      %get3A_210 = tpu.vector_load %arg18[%get3A_209] {strides = array<i32>} : memref<16xf32, #tpu.memory_space<vmem>>, vector<16xf32>,
      %mul3A_211 = arith.mulf %sub3A_208, %sub3A_208 : vector<16xf32>
      %add3A_212 = arith.addf %get3A_210, %mul3A_211 : vector<16xf32>
      %swap3A_213 = arith.constant 0 : index
      %swap3A_214 = tpu.vector_load %arg18[%swap3A_213] {strides = array<i32>} : memref<16xf32, #tpu.memory_space<vmem>>, vector<16xf32>,
      tpu.vector_store %arg18[%swap3A_213], %add3A_212 {strides = array<i32>} : memref<16xf32, #tpu.memory_space<vmem>>, vector<16xf32>,
      %get3A_215 = arith.constant 112 : index
      %get3A_216 = tpu.vector_load %arg17[%get3A_215] {strides = array<i32>} : memref<256xf32, #tpu.memory_space<vmem>>, vector<16xf32>,
      %get3A_217 = arith.index_cast %scan3A_20 : i32 to index
      %get3A_218 = arith.constant 112 : index
      %get3A_219 = tpu.vector_load %arg15[%get3A_217, %get3A_218] {strides = array<i32>} : memref<32x256xf32, #tpu.memory_space<vmem>>, vector<16xf32>,
      %sub3A_220 = arith.subf %get3A_216, %get3A_219 : vector<16xf32>
      %get3A_221 = arith.constant 0 : index
      %get3A_222 = tpu.vector_load %arg18[%get3A_221] {strides = array<i32>} : memref<16xf32, #tpu.memory_space<vmem>>, vector<16xf32>,
      %mul3A_223 = arith.mulf %sub3A_220, %sub3A_220 : vector<16xf32>
      %add3A_224 = arith.addf %get3A_222, %mul3A_223 : vector<16xf32>
      %swap3A_225 = arith.constant 0 : index
      %swap3A_226 = tpu.vector_load %arg18[%swap3A_225] {strides = array<i32>} : memref<16xf32, #tpu.memory_space<vmem>>, vector<16xf32>,
      tpu.vector_store %arg18[%swap3A_225], %add3A_224 {strides = array<i32>} : memref<16xf32, #tpu.memory_space<vmem>>, vector<16xf32>,
      %get3A_227 = arith.constant 128 : index
      %get3A_228 = tpu.vector_load %arg17[%get3A_227] {strides = array<i32>} : memref<256xf32, #tpu.memory_space<vmem>>, vector<16xf32>,
      %get3A_229 = arith.index_cast %scan3A_20 : i32 to index
      %get3A_230 = arith.constant 128 : index
      %get3A_231 = tpu.vector_load %arg15[%get3A_229, %get3A_230] {strides = array<i32>} : memref<32x256xf32, #tpu.memory_space<vmem>>, vector<16xf32>,
      %sub3A_232 = arith.subf %get3A_228, %get3A_231 : vector<16xf32>
      %get3A_233 = arith.constant 0 : index
      %get3A_234 = tpu.vector_load %arg18[%get3A_233] {strides = array<i32>} : memref<16xf32, #tpu.memory_space<vmem>>, vector<16xf32>,
      %mul3A_235 = arith.mulf %sub3A_232, %sub3A_232 : vector<16xf32>
      %add3A_236 = arith.addf %get3A_234, %mul3A_235 : vector<16xf32>
      %swap3A_237 = arith.constant 0 : index
      %swap3A_238 = tpu.vector_load %arg18[%swap3A_237] {strides = array<i32>} : memref<16xf32, #tpu.memory_space<vmem>>, vector<16xf32>,
      tpu.vector_store %arg18[%swap3A_237], %add3A_236 {strides = array<i32>} : memref<16xf32, #tpu.memory_space<vmem>>, vector<16xf32>,
      %get3A_239 = arith.constant 144 : index
      %get3A_240 = tpu.vector_load %arg17[%get3A_239] {strides = array<i32>} : memref<256xf32, #tpu.memory_space<vmem>>, vector<16xf32>,
      %get3A_241 = arith.index_cast %scan3A_20 : i32 to index
      %get3A_242 = arith.constant 144 : index
      %get3A_243 = tpu.vector_load %arg15[%get3A_241, %get3A_242] {strides = array<i32>} : memref<32x256xf32, #tpu.memory_space<vmem>>, vector<16xf32>,
      %sub3A_244 = arith.subf %get3A_240, %get3A_243 : vector<16xf32>
      %get3A_245 = arith.constant 0 : index
      %get3A_246 = tpu.vector_load %arg18[%get3A_245] {strides = array<i32>} : memref<16xf32, #tpu.memory_space<vmem>>, vector<16xf32>,
      %mul3A_247 = arith.mulf %sub3A_244, %sub3A_244 : vector<16xf32>
      %add3A_248 = arith.addf %get3A_246, %mul3A_247 : vector<16xf32>
      %swap3A_249 = arith.constant 0 : index
      %swap3A_250 = tpu.vector_load %arg18[%swap3A_249] {strides = array<i32>} : memref<16xf32, #tpu.memory_space<vmem>>, vector<16xf32>,
      tpu.vector_store %arg18[%swap3A_249], %add3A_248 {strides = array<i32>} : memref<16xf32, #tpu.memory_space<vmem>>, vector<16xf32>,
      %get3A_251 = arith.constant 160 : index
      %get3A_252 = tpu.vector_load %arg17[%get3A_251] {strides = array<i32>} : memref<256xf32, #tpu.memory_space<vmem>>, vector<16xf32>,
      %get3A_253 = arith.index_cast %scan3A_20 : i32 to index
      %get3A_254 = arith.constant 160 : index
      %get3A_255 = tpu.vector_load %arg15[%get3A_253, %get3A_254] {strides = array<i32>} : memref<32x256xf32, #tpu.memory_space<vmem>>, vector<16xf32>,
      %sub3A_256 = arith.subf %get3A_252, %get3A_255 : vector<16xf32>
      %get3A_257 = arith.constant 0 : index
      %get3A_258 = tpu.vector_load %arg18[%get3A_257] {strides = array<i32>} : memref<16xf32, #tpu.memory_space<vmem>>, vector<16xf32>,
      %mul3A_259 = arith.mulf %sub3A_256, %sub3A_256 : vector<16xf32>
      %add3A_260 = arith.addf %get3A_258, %mul3A_259 : vector<16xf32>
      %swap3A_261 = arith.constant 0 : index
      %swap3A_262 = tpu.vector_load %arg18[%swap3A_261] {strides = array<i32>} : memref<16xf32, #tpu.memory_space<vmem>>, vector<16xf32>,
      tpu.vector_store %arg18[%swap3A_261], %add3A_260 {strides = array<i32>} : memref<16xf32, #tpu.memory_space<vmem>>, vector<16xf32>,
      %get3A_263 = arith.constant 176 : index
      %get3A_264 = tpu.vector_load %arg17[%get3A_263] {strides = array<i32>} : memref<256xf32, #tpu.memory_space<vmem>>, vector<16xf32>,
      %get3A_265 = arith.index_cast %scan3A_20 : i32 to index
      %get3A_266 = arith.constant 176 : index
      %get3A_267 = tpu.vector_load %arg15[%get3A_265, %get3A_266] {strides = array<i32>} : memref<32x256xf32, #tpu.memory_space<vmem>>, vector<16xf32>,
      %sub3A_268 = arith.subf %get3A_264, %get3A_267 : vector<16xf32>
      %get3A_269 = arith.constant 0 : index
      %get3A_270 = tpu.vector_load %arg18[%get3A_269] {strides = array<i32>} : memref<16xf32, #tpu.memory_space<vmem>>, vector<16xf32>,
      %mul3A_271 = arith.mulf %sub3A_268, %sub3A_268 : vector<16xf32>
      %add3A_272 = arith.addf %get3A_270, %mul3A_271 : vector<16xf32>
      %swap3A_273 = arith.constant 0 : index
      %swap3A_274 = tpu.vector_load %arg18[%swap3A_273] {strides = array<i32>} : memref<16xf32, #tpu.memory_space<vmem>>, vector<16xf32>,
      tpu.vector_store %arg18[%swap3A_273], %add3A_272 {strides = array<i32>} : memref<16xf32, #tpu.memory_space<vmem>>, vector<16xf32>,
      %get3A_275 = arith.constant 192 : index
      %get3A_276 = tpu.vector_load %arg17[%get3A_275] {strides = array<i32>} : memref<256xf32, #tpu.memory_space<vmem>>, vector<16xf32>,
      %get3A_277 = arith.index_cast %scan3A_20 : i32 to index
      %get3A_278 = arith.constant 192 : index
      %get3A_279 = tpu.vector_load %arg15[%get3A_277, %get3A_278] {strides = array<i32>} : memref<32x256xf32, #tpu.memory_space<vmem>>, vector<16xf32>,
      %sub3A_280 = arith.subf %get3A_276, %get3A_279 : vector<16xf32>
      %get3A_281 = arith.constant 0 : index
      %get3A_282 = tpu.vector_load %arg18[%get3A_281] {strides = array<i32>} : memref<16xf32, #tpu.memory_space<vmem>>, vector<16xf32>,
      %mul3A_283 = arith.mulf %sub3A_280, %sub3A_280 : vector<16xf32>
      %add3A_284 = arith.addf %get3A_282, %mul3A_283 : vector<16xf32>
      %swap3A_285 = arith.constant 0 : index
      %swap3A_286 = tpu.vector_load %arg18[%swap3A_285] {strides = array<i32>} : memref<16xf32, #tpu.memory_space<vmem>>, vector<16xf32>,
      tpu.vector_store %arg18[%swap3A_285], %add3A_284 {strides = array<i32>} : memref<16xf32, #tpu.memory_space<vmem>>, vector<16xf32>,
      %get3A_287 = arith.constant 208 : index
      %get3A_288 = tpu.vector_load %arg17[%get3A_287] {strides = array<i32>} : memref<256xf32, #tpu.memory_space<vmem>>, vector<16xf32>,
      %get3A_289 = arith.index_cast %scan3A_20 : i32 to index
      %get3A_290 = arith.constant 208 : index
      %get3A_291 = tpu.vector_load %arg15[%get3A_289, %get3A_290] {strides = array<i32>} : memref<32x256xf32, #tpu.memory_space<vmem>>, vector<16xf32>,
      %sub3A_292 = arith.subf %get3A_288, %get3A_291 : vector<16xf32>
      %get3A_293 = arith.constant 0 : index
      %get3A_294 = tpu.vector_load %arg18[%get3A_293] {strides = array<i32>} : memref<16xf32, #tpu.memory_space<vmem>>, vector<16xf32>,
      %mul3A_295 = arith.mulf %sub3A_292, %sub3A_292 : vector<16xf32>
      %add3A_296 = arith.addf %get3A_294, %mul3A_295 : vector<16xf32>
      %swap3A_297 = arith.constant 0 : index
      %swap3A_298 = tpu.vector_load %arg18[%swap3A_297] {strides = array<i32>} : memref<16xf32, #tpu.memory_space<vmem>>, vector<16xf32>,
      tpu.vector_store %arg18[%swap3A_297], %add3A_296 {strides = array<i32>} : memref<16xf32, #tpu.memory_space<vmem>>, vector<16xf32>,
      %get3A_299 = arith.constant 224 : index
      %get3A_300 = tpu.vector_load %arg17[%get3A_299] {strides = array<i32>} : memref<256xf32, #tpu.memory_space<vmem>>, vector<16xf32>,
      %get3A_301 = arith.index_cast %scan3A_20 : i32 to index
      %get3A_302 = arith.constant 224 : index
      %get3A_303 = tpu.vector_load %arg15[%get3A_301, %get3A_302] {strides = array<i32>} : memref<32x256xf32, #tpu.memory_space<vmem>>, vector<16xf32>,
      %sub3A_304 = arith.subf %get3A_300, %get3A_303 : vector<16xf32>
      %get3A_305 = arith.constant 0 : index
      %get3A_306 = tpu.vector_load %arg18[%get3A_305] {strides = array<i32>} : memref<16xf32, #tpu.memory_space<vmem>>, vector<16xf32>,
      %mul3A_307 = arith.mulf %sub3A_304, %sub3A_304 : vector<16xf32>
      %add3A_308 = arith.addf %get3A_306, %mul3A_307 : vector<16xf32>
      %swap3A_309 = arith.constant 0 : index
      %swap3A_310 = tpu.vector_load %arg18[%swap3A_309] {strides = array<i32>} : memref<16xf32, #tpu.memory_space<vmem>>, vector<16xf32>,
      tpu.vector_store %arg18[%swap3A_309], %add3A_308 {strides = array<i32>} : memref<16xf32, #tpu.memory_space<vmem>>, vector<16xf32>,
      %get3A_311 = arith.constant 240 : index
      %get3A_312 = tpu.vector_load %arg17[%get3A_311] {strides = array<i32>} : memref<256xf32, #tpu.memory_space<vmem>>, vector<16xf32>,
      %get3A_313 = arith.index_cast %scan3A_20 : i32 to index
      %get3A_314 = arith.constant 240 : index
      %get3A_315 = tpu.vector_load %arg15[%get3A_313, %get3A_314] {strides = array<i32>} : memref<32x256xf32, #tpu.memory_space<vmem>>, vector<16xf32>,
      %sub3A_316 = arith.subf %get3A_312, %get3A_315 : vector<16xf32>
      %get3A_317 = arith.constant 0 : index
      %get3A_318 = tpu.vector_load %arg18[%get3A_317] {strides = array<i32>} : memref<16xf32, #tpu.memory_space<vmem>>, vector<16xf32>,
      %mul3A_319 = arith.mulf %sub3A_316, %sub3A_316 : vector<16xf32>
      %add3A_320 = arith.addf %get3A_318, %mul3A_319 : vector<16xf32>
      %swap3A_321 = arith.constant 0 : index
      %swap3A_322 = tpu.vector_load %arg18[%swap3A_321] {strides = array<i32>} : memref<16xf32, #tpu.memory_space<vmem>>, vector<16xf32>,
      tpu.vector_store %arg18[%swap3A_321], %add3A_320 {strides = array<i32>} : memref<16xf32, #tpu.memory_space<vmem>>, vector<16xf32>,
      %add3A_323 = arith.addi %mul3A_2, %scan3A_20 : i32
      "tpu.region"() ({
        %run_scoped3A = tpu.sem_alloc : memref<!tpu.dma_semaphore, #tpu.memory_space<semaphore_mem>>
        %dma_start3A_333 = arith.constant 0 : i32
        %dma_start3A_334 = tpu.memref_slice %arg8[%add3A_323, %dma_start3A_333] : memref<1024x256xf32, #tpu.memory_space<hbm>> -> memref<1x256xf32, #tpu.memory_space<hbm>>
        %dma_start3A_335 = tpu.memref_squeeze %dma_start3A_334 : memref<1x256xf32, #tpu.memory_space<hbm>> -> memref<256xf32, #tpu.memory_space<hbm>>
        %dma_start3A_336 = arith.constant 0 : i32
        %dma_start3A_337 = tpu.memref_slice %arg8[%add3A_323, %dma_start3A_336] : memref<1024x256xf32, #tpu.memory_space<hbm>> -> memref<1x256xf32, #tpu.memory_space<hbm>>
        %dma_start3A_338 = tpu.memref_squeeze %dma_start3A_337 : memref<1x256xf32, #tpu.memory_space<hbm>> -> memref<256xf32, #tpu.memory_space<hbm>>
        tpu.enqueue_dma source(%arg17 : memref<256xf32, #tpu.memory_space<vmem>>) target(%dma_start3A_338 : memref<256xf32, #tpu.memory_space<hbm>>) target_semaphore(%run_scoped3A : memref<!tpu.dma_semaphore, #tpu.memory_space<semaphore_mem>>)
        %dma_wait3A_339 = arith.constant 0 : i32
        %dma_wait3A_340 = tpu.memref_slice %arg8[%add3A_323, %dma_wait3A_339] : memref<1024x256xf32, #tpu.memory_space<hbm>> -> memref<1x256xf32, #tpu.memory_space<hbm>>
        %dma_wait3A_341 = tpu.memref_squeeze %dma_wait3A_340 : memref<1x256xf32, #tpu.memory_space<hbm>> -> memref<256xf32, #tpu.memory_space<hbm>>
        %dma_wait3A_342 = arith.constant 0 : i32
        %dma_wait3A_343 = tpu.memref_slice %arg8[%add3A_323, %dma_wait3A_342] : memref<1024x256xf32, #tpu.memory_space<hbm>> -> memref<1x256xf32, #tpu.memory_space<hbm>>
        %dma_wait3A_344 = tpu.memref_squeeze %dma_wait3A_343 : memref<1x256xf32, #tpu.memory_space<hbm>> -> memref<256xf32, #tpu.memory_space<hbm>>
        tpu.wait_dma2 semaphore(%run_scoped3A : memref<!tpu.dma_semaphore, #tpu.memory_space<semaphore_mem>>) src(%arg17 : memref<256xf32, #tpu.memory_space<vmem>>) dst(%dma_wait3A_344 : memref<256xf32, #tpu.memory_space<hbm>>)
        tpu.yield
      }) : () -> ()
      %dma_wait3A_324 = arith.constant 0 : i32
      %dma_wait3A_325 = tpu.memref_slice %arg7[%add3A_52, %dma_wait3A_324] : memref<1024x65536xf32, #tpu.memory_space<hbm>> -> memref<1x65536xf32, #tpu.memory_space<hbm>>
      %dma_wait3A_326 = tpu.memref_squeeze %dma_wait3A_325 : memref<1x65536xf32, #tpu.memory_space<hbm>> -> memref<65536xf32, #tpu.memory_space<hbm>>
      %dma_wait3A_327 = arith.constant 0 : i32
      %dma_wait3A_328 = tpu.memref_slice %arg7[%add3A_52, %dma_wait3A_327] : memref<1024x65536xf32, #tpu.memory_space<hbm>> -> memref<1x65536xf32, #tpu.memory_space<hbm>>
      %dma_wait3A_329 = tpu.memref_squeeze %dma_wait3A_328 : memref<1x65536xf32, #tpu.memory_space<hbm>> -> memref<65536xf32, #tpu.memory_space<hbm>>
      tpu.wait_dma2 semaphore(%arg20 : memref<!tpu.dma_semaphore, #tpu.memory_space<semaphore_mem>>) src(%arg10 : memref<65536xf32, #tpu.memory_space<vmem>>) dst(%dma_wait3A_329 : memref<65536xf32, #tpu.memory_space<hbm>>)
      %broadcast_in_dim3A_330 = arith.constant 0.000000e+00 : f32
      %broadcast_in_dim3A_331 = vector.broadcast %broadcast_in_dim3A_330 : f32 to vector<16xf32>
      tpu.vector_store_idx %arg10[%get3A_34], %broadcast_in_dim3A_331 : memref<65536xf32, #tpu.memory_space<vmem>>[vector<16xi32>], vector<16xf32>,
      tpu.vector_store_idx %arg10[%get3A_36], %broadcast_in_dim3A_331 : memref<65536xf32, #tpu.memory_space<vmem>>[vector<16xi32>], vector<16xf32>,
      %scan3A_332 = arith.constant 0 : i32
      scf.yield %scan3A_332 : i32
    }
    %scan3A_19 = arith.constant 32 : i32
    "tpu.region"() ({
      %run_scoped3A = tpu.sem_alloc : memref<!tpu.dma_semaphore, #tpu.memory_space<semaphore_mem>>
      %dma_start3A = arith.constant 0 : i32
      %dma_start3A_20 = tpu.memref_slice %arg9[%add3A, %dma_start3A] : memref<32x16xf32, #tpu.memory_space<hbm>> -> memref<1x16xf32, #tpu.memory_space<hbm>>
      %dma_start3A_21 = tpu.memref_squeeze %dma_start3A_20 : memref<1x16xf32, #tpu.memory_space<hbm>> -> memref<16xf32, #tpu.memory_space<hbm>>
      %dma_start3A_22 = arith.constant 0 : i32
      %dma_start3A_23 = tpu.memref_slice %arg9[%add3A, %dma_start3A_22] : memref<32x16xf32, #tpu.memory_space<hbm>> -> memref<1x16xf32, #tpu.memory_space<hbm>>
      %dma_start3A_24 = tpu.memref_squeeze %dma_start3A_23 : memref<1x16xf32, #tpu.memory_space<hbm>> -> memref<16xf32, #tpu.memory_space<hbm>>
      tpu.enqueue_dma source(%arg18 : memref<16xf32, #tpu.memory_space<vmem>>) target(%dma_start3A_24 : memref<16xf32, #tpu.memory_space<hbm>>) target_semaphore(%run_scoped3A : memref<!tpu.dma_semaphore, #tpu.memory_space<semaphore_mem>>)
      %dma_wait3A = arith.constant 0 : i32
      %dma_wait3A_25 = tpu.memref_slice %arg9[%add3A, %dma_wait3A] : memref<32x16xf32, #tpu.memory_space<hbm>> -> memref<1x16xf32, #tpu.memory_space<hbm>>
      %dma_wait3A_26 = tpu.memref_squeeze %dma_wait3A_25 : memref<1x16xf32, #tpu.memory_space<hbm>> -> memref<16xf32, #tpu.memory_space<hbm>>
      %dma_wait3A_27 = arith.constant 0 : i32
      %dma_wait3A_28 = tpu.memref_slice %arg9[%add3A, %dma_wait3A_27] : memref<32x16xf32, #tpu.memory_space<hbm>> -> memref<1x16xf32, #tpu.memory_space<hbm>>
      %dma_wait3A_29 = tpu.memref_squeeze %dma_wait3A_28 : memref<1x16xf32, #tpu.memory_space<hbm>> -> memref<16xf32, #tpu.memory_space<hbm>>
      tpu.wait_dma2 semaphore(%run_scoped3A : memref<!tpu.dma_semaphore, #tpu.memory_space<semaphore_mem>>) src(%arg18 : memref<16xf32, #tpu.memory_space<vmem>>) dst(%dma_wait3A_29 : memref<16xf32, #tpu.memory_space<hbm>>)
      tpu.yield
    }) : () -> ()
    return
  }
}

module attributes {stable_mosaic.version = 14 : i64} {
  func.func @_encode_topk_kernel(%arg0: i32, %arg1: memref<256x1024xf32, #tpu.memory_space<vmem>>, %arg2: memref<512x256xf32, #tpu.memory_space<vmem>>, %arg3: memref<1x512x1xf32, #tpu.memory_space<vmem>>, %arg4: memref<1024x32xf32, #tpu.memory_space<vmem>>, %arg5: memref<1024x32xi32, #tpu.memory_space<vmem>>, %arg6: memref<512x1024xf32, #tpu.memory_space<vmem>>, %arg7: memref<1280x1024xf32, #tpu.memory_space<vmem>>, %arg8: memref<1280x1024xi32, #tpu.memory_space<vmem>>, %arg9: memref<32x1024xf32, #tpu.memory_space<vmem>>, %arg10: memref<32x1024xi32, #tpu.memory_space<vmem>>) attributes {dimension_semantics = [#tpu.dimension_semantics<arbitrary>], iteration_bounds = array<i64: 128>, scalar_prefetch = 0 : i64, scratch_operands = 5 : i64, tpu.core_type = #tpu.core_type<tc>, window_params = [{pipeline_mode = #tpu.pipeline_mode<synchronous>, transform_indices = @transform_0, window_bounds = array<i64: 256, 1024>}, {transform_indices = @transform_1, window_bounds = array<i64: 512, 256>}, {transform_indices = @transform_2, window_bounds = array<i64: 1, 512, 1>}, {pipeline_mode = #tpu.pipeline_mode<synchronous>, transform_indices = @transform_3, window_bounds = array<i64: 1024, 32>}, {pipeline_mode = #tpu.pipeline_mode<synchronous>, transform_indices = @transform_4, window_bounds = array<i64: 1024, 32>}]} {
    %get3A = arith.constant 0 : index
    %get3A_0 = arith.constant 0 : index
    %get3A_1 = vector.load %arg2[%get3A, %get3A_0] : memref<512x256xf32, #tpu.memory_space<vmem>>, vector<512x256xf32>
    %get3A_2 = arith.constant 0 : index
    %get3A_3 = arith.constant 0 : index
    %get3A_4 = vector.load %arg1[%get3A_2, %get3A_3] : memref<256x1024xf32, #tpu.memory_space<vmem>>, vector<256x1024xf32>
    %dot_general3A = arith.constant dense<0.000000e+00> : vector<512x1024xf32>
    %dot_general3A_5 = tpu.matmul %get3A_1, %get3A_4, %dot_general3A {dimension_numbers = #tpu.dot_dimension_numbers<[1], [0], [0], [1], [0, 0, 1, 1], [], []>, transpose_lhs_hint = false} : vector<512x256xf32>, vector<256x1024xf32>, vector<512x1024xf32> -> vector<512x1024xf32>
    %get3A_6 = arith.constant 0 : index
    %get3A_7 = arith.constant 0 : index
    %get3A_8 = arith.constant 0 : index
    %get3A_9 = vector.load %arg3[%get3A_6, %get3A_7, %get3A_8] : memref<1x512x1xf32, #tpu.memory_space<vmem>>, vector<1x512x1xf32>
    %reshape3A = vector.shape_cast %get3A_9 : vector<1x512x1xf32> to vector<512x1xf32>
    %add3A = vector.broadcast %reshape3A : vector<512x1xf32> to vector<512x1024xf32>
    %add3A_10 = arith.addf %dot_general3A_5, %add3A : vector<512x1024xf32>
    %swap3A = arith.constant 0 : index
    %swap3A_11 = arith.constant 0 : index
    %swap3A_12 = vector.load %arg6[%swap3A, %swap3A_11] : memref<512x1024xf32, #tpu.memory_space<vmem>>, vector<512x1024xf32>
    tpu.vector_store %arg6[%swap3A, %swap3A_11], %add3A_10 {strides = array<i32>} : memref<512x1024xf32, #tpu.memory_space<vmem>>, vector<512x1024xf32>,
    %mul3A = arith.constant 512 : i32
    %mul3A_13 = arith.muli %arg0, %mul3A : i32
    %scan3A = arith.constant 0 : i32
    %scan3A_14 = arith.constant 10 : i32
    %scan3A_15 = arith.addi %scan3A, %scan3A_14 : i32
    %scan3A_16 = arith.constant 1 : i32
    scf.for %scan3A_20 = %scan3A to %scan3A_15 step %scan3A_16  : i32 {
      %get3A_21 = arith.constant 0 : index
      %get3A_22 = arith.constant 0 : index
      %get3A_23 = vector.load %arg6[%get3A_21, %get3A_22] : memref<512x1024xf32, #tpu.memory_space<vmem>>, vector<512x1024xf32>
      %reduce_max3A = arith.constant dense<0xFF800000> : vector<1024xf32>
      %reduce_max3A_24 = vector.multi_reduction <maximumf>, %get3A_23, %reduce_max3A [0] : vector<512x1024xf32> to vector<1024xf32>
      %argmax3A = tpu.reduce_index %get3A_23 {axis = 0 : i32, kind = #tpu.reduction_kind<arg_max>} : vector<512x1024xf32> -> vector<1024xi32>
      %mul3A_25 = arith.constant 10 : i32
      %mul3A_26 = arith.muli %arg0, %mul3A_25 : i32
      %add3A_27 = arith.addi %mul3A_26, %scan3A_20 : i32
      %swap3A_28 = arith.index_cast %add3A_27 : i32 to index
      %swap3A_29 = arith.constant 0 : index
      %swap3A_30 = vector.load %arg7[%swap3A_28, %swap3A_29] : memref<1280x1024xf32, #tpu.memory_space<vmem>>, vector<1x1024xf32>
      %swap3A_31 = vector.shape_cast %swap3A_30 : vector<1x1024xf32> to vector<1024xf32>
      %swap3A_32 = vector.shape_cast %reduce_max3A_24 : vector<1024xf32> to vector<1x1024xf32>
      tpu.vector_store %arg7[%swap3A_28, %swap3A_29], %swap3A_32 {strides = array<i32>} : memref<1280x1024xf32, #tpu.memory_space<vmem>>, vector<1x1024xf32>,
      %add3A_33 = vector.broadcast %mul3A_13 : i32 to vector<1024xi32>
      %add3A_34 = arith.addi %argmax3A, %add3A_33 : vector<1024xi32>
      %mul3A_35 = arith.constant 10 : i32
      %mul3A_36 = arith.muli %arg0, %mul3A_35 : i32
      %add3A_37 = arith.addi %mul3A_36, %scan3A_20 : i32
      %swap3A_38 = arith.index_cast %add3A_37 : i32 to index
      %swap3A_39 = arith.constant 0 : index
      %swap3A_40 = vector.load %arg8[%swap3A_38, %swap3A_39] : memref<1280x1024xi32, #tpu.memory_space<vmem>>, vector<1x1024xi32>
      %swap3A_41 = vector.shape_cast %swap3A_40 : vector<1x1024xi32> to vector<1024xi32>
      %swap3A_42 = vector.shape_cast %add3A_34 : vector<1024xi32> to vector<1x1024xi32>
      tpu.vector_store %arg8[%swap3A_38, %swap3A_39], %swap3A_42 {strides = array<i32>} : memref<1280x1024xi32, #tpu.memory_space<vmem>>, vector<1x1024xi32>,
      %iota3A = tpu.iota {dimensions = array<i32: 0>} : vector<512x1024xi32>
      %broadcast_in_dim3A = vector.shape_cast %argmax3A : vector<1024xi32> to vector<1x1024xi32>
      %eq3A_43 = vector.broadcast %broadcast_in_dim3A : vector<1x1024xi32> to vector<512x1024xi32>
      %eq3A_44 = arith.cmpi eq, %iota3A, %eq3A_43 : vector<512x1024xi32>
      %jit3A = arith.constant 0xFF800000 : f32
      %broadcast_in_dim3A_45 = vector.broadcast %jit3A : f32 to vector<512x1024xf32>
      %select_n3A = arith.select %eq3A_44, %broadcast_in_dim3A_45, %get3A_23 : vector<512x1024xi1>, vector<512x1024xf32>
      %swap3A_46 = arith.constant 0 : index
      %swap3A_47 = arith.constant 0 : index
      %swap3A_48 = vector.load %arg6[%swap3A_46, %swap3A_47] : memref<512x1024xf32, #tpu.memory_space<vmem>>, vector<512x1024xf32>
      tpu.vector_store %arg6[%swap3A_46, %swap3A_47], %select_n3A {strides = array<i32>} : memref<512x1024xf32, #tpu.memory_space<vmem>>, vector<512x1024xf32>,
    }
    %scan3A_17 = arith.constant 10 : i32
    %eq3A = arith.constant 127 : i32
    %eq3A_18 = arith.cmpi eq, %arg0, %eq3A : i32
    %convert_element_type3A = arith.extui %eq3A_18 : i1 to i32
    %cond3A = arith.constant 0 : i32
    %cond3A_19 = arith.cmpi ne, %convert_element_type3A, %cond3A : i32
    scf.if %cond3A_19 {
      %scan3A_20 = arith.constant 0 : i32
      %scan3A_21 = arith.constant 32 : i32
      %scan3A_22 = arith.addi %scan3A_20, %scan3A_21 : i32
      %scan3A_23 = arith.constant 1 : i32
      scf.for %scan3A_38 = %scan3A_20 to %scan3A_22 step %scan3A_23  : i32 {
        %get3A_39 = arith.constant 0 : index
        %get3A_40 = arith.constant 0 : index
        %get3A_41 = vector.load %arg7[%get3A_39, %get3A_40] : memref<1280x1024xf32, #tpu.memory_space<vmem>>, vector<1280x1024xf32>
        %reduce_max3A = arith.constant dense<0xFF800000> : vector<1024xf32>
        %reduce_max3A_42 = vector.multi_reduction <maximumf>, %get3A_41, %reduce_max3A [0] : vector<1280x1024xf32> to vector<1024xf32>
        %iota3A = tpu.iota {dimensions = array<i32: 0>} : vector<1280x1024xi32>
        %broadcast_in_dim3A = vector.shape_cast %reduce_max3A_42 : vector<1024xf32> to vector<1x1024xf32>
        %eq3A_43 = vector.broadcast %broadcast_in_dim3A : vector<1x1024xf32> to vector<1280x1024xf32>
        %eq3A_44 = arith.cmpf oeq, %get3A_41, %eq3A_43 : vector<1280x1024xf32>
        %jit3A = arith.constant 1280 : i32
        %broadcast_in_dim3A_45 = vector.broadcast %jit3A : i32 to vector<1280x1024xi32>
        %select_n3A = arith.select %eq3A_44, %iota3A, %broadcast_in_dim3A_45 : vector<1280x1024xi1>, vector<1280x1024xi32>
        %reduce_min3A = arith.constant dense<2147483647> : vector<1024xi32>
        %reduce_min3A_46 = vector.multi_reduction <minsi>, %select_n3A, %reduce_min3A [0] : vector<1280x1024xi32> to vector<1024xi32>
        %broadcast_in_dim3A_47 = vector.shape_cast %reduce_min3A_46 : vector<1024xi32> to vector<1x1024xi32>
        %eq3A_48 = vector.broadcast %broadcast_in_dim3A_47 : vector<1x1024xi32> to vector<1280x1024xi32>
        %eq3A_49 = arith.cmpi eq, %iota3A, %eq3A_48 : vector<1280x1024xi32>
        %get3A_50 = arith.constant 0 : index
        %get3A_51 = arith.constant 0 : index
        %get3A_52 = vector.load %arg8[%get3A_50, %get3A_51] : memref<1280x1024xi32, #tpu.memory_space<vmem>>, vector<1280x1024xi32>
        %jit3A_53 = arith.constant 0 : i32
        %broadcast_in_dim3A_54 = vector.broadcast %jit3A_53 : i32 to vector<1280x1024xi32>
        %select_n3A_55 = arith.select %eq3A_49, %get3A_52, %broadcast_in_dim3A_54 : vector<1280x1024xi1>, vector<1280x1024xi32>
        %reduce_sum3A = arith.constant dense<0> : vector<1024xi32>
        %reduce_sum3A_56 = vector.multi_reduction <add>, %select_n3A_55, %reduce_sum3A [0] : vector<1280x1024xi32> to vector<1024xi32>
        %swap3A_57 = arith.index_cast %scan3A_38 : i32 to index
        %swap3A_58 = arith.constant 0 : index
        %swap3A_59 = vector.load %arg9[%swap3A_57, %swap3A_58] : memref<32x1024xf32, #tpu.memory_space<vmem>>, vector<1x1024xf32>
        %swap3A_60 = vector.shape_cast %swap3A_59 : vector<1x1024xf32> to vector<1024xf32>
        %swap3A_61 = vector.shape_cast %reduce_max3A_42 : vector<1024xf32> to vector<1x1024xf32>
        tpu.vector_store %arg9[%swap3A_57, %swap3A_58], %swap3A_61 {strides = array<i32>} : memref<32x1024xf32, #tpu.memory_space<vmem>>, vector<1x1024xf32>,
        %swap3A_62 = arith.index_cast %scan3A_38 : i32 to index
        %swap3A_63 = arith.constant 0 : index
        %swap3A_64 = vector.load %arg10[%swap3A_62, %swap3A_63] : memref<32x1024xi32, #tpu.memory_space<vmem>>, vector<1x1024xi32>
        %swap3A_65 = vector.shape_cast %swap3A_64 : vector<1x1024xi32> to vector<1024xi32>
        %swap3A_66 = vector.shape_cast %reduce_sum3A_56 : vector<1024xi32> to vector<1x1024xi32>
        tpu.vector_store %arg10[%swap3A_62, %swap3A_63], %swap3A_66 {strides = array<i32>} : memref<32x1024xi32, #tpu.memory_space<vmem>>, vector<1x1024xi32>,
        %jit3A_67 = arith.constant 0xFF800000 : f32
        %broadcast_in_dim3A_68 = vector.broadcast %jit3A_67 : f32 to vector<1280x1024xf32>
        %select_n3A_69 = arith.select %eq3A_49, %broadcast_in_dim3A_68, %get3A_41 : vector<1280x1024xi1>, vector<1280x1024xf32>
        %swap3A_70 = arith.constant 0 : index
        %swap3A_71 = arith.constant 0 : index
        %swap3A_72 = vector.load %arg7[%swap3A_70, %swap3A_71] : memref<1280x1024xf32, #tpu.memory_space<vmem>>, vector<1280x1024xf32>
        tpu.vector_store %arg7[%swap3A_70, %swap3A_71], %select_n3A_69 {strides = array<i32>} : memref<1280x1024xf32, #tpu.memory_space<vmem>>, vector<1280x1024xf32>,
      }
      %scan3A_24 = arith.constant 32 : i32
      %get3A_25 = arith.constant 0 : index
      %get3A_26 = arith.constant 0 : index
      %get3A_27 = vector.load %arg9[%get3A_25, %get3A_26] : memref<32x1024xf32, #tpu.memory_space<vmem>>, vector<32x1024xf32>
      %transpose3A = tpu.transpose %get3A_27, [1, 0] : vector<32x1024xf32> -> vector<1024x32xf32>
      %swap3A_28 = arith.constant 0 : index
      %swap3A_29 = arith.constant 0 : index
      %swap3A_30 = vector.load %arg4[%swap3A_28, %swap3A_29] : memref<1024x32xf32, #tpu.memory_space<vmem>>, vector<1024x32xf32>
      tpu.vector_store %arg4[%swap3A_28, %swap3A_29], %transpose3A {strides = array<i32>} : memref<1024x32xf32, #tpu.memory_space<vmem>>, vector<1024x32xf32>,
      %get3A_31 = arith.constant 0 : index
      %get3A_32 = arith.constant 0 : index
      %get3A_33 = vector.load %arg10[%get3A_31, %get3A_32] : memref<32x1024xi32, #tpu.memory_space<vmem>>, vector<32x1024xi32>
      %transpose3A_34 = tpu.transpose %get3A_33, [1, 0] : vector<32x1024xi32> -> vector<1024x32xi32>
      %swap3A_35 = arith.constant 0 : index
      %swap3A_36 = arith.constant 0 : index
      %swap3A_37 = vector.load %arg5[%swap3A_35, %swap3A_36] : memref<1024x32xi32, #tpu.memory_space<vmem>>, vector<1024x32xi32>
      tpu.vector_store %arg5[%swap3A_35, %swap3A_36], %transpose3A_34 {strides = array<i32>} : memref<1024x32xi32, #tpu.memory_space<vmem>>, vector<1024x32xi32>,
    } else {
    }
    return
  }
  func.func @transform_0(%arg0: i32) -> (i32, i32) {
    %c0_i32 = arith.constant 0 : i32
    %c0_i32_0 = arith.constant 0 : i32
    %c0_i32_1 = arith.constant 0 : i32
    return %c0_i32, %c0_i32_0 : i32, i32
  }
  func.func @transform_1(%arg0: i32) -> (i32, i32) {
    %c0_i32 = arith.constant 0 : i32
    %c0_i32_0 = arith.constant 0 : i32
    return %arg0, %c0_i32 : i32, i32
  }
  func.func @transform_2(%arg0: i32) -> (i32, i32, i32) {
    %c0_i32 = arith.constant 0 : i32
    %c0_i32_0 = arith.constant 0 : i32
    %c0_i32_1 = arith.constant 0 : i32
    return %arg0, %c0_i32, %c0_i32_0 : i32, i32, i32
  }
  func.func @transform_3(%arg0: i32) -> (i32, i32) {
    %c0_i32 = arith.constant 0 : i32
    %c0_i32_0 = arith.constant 0 : i32
    %c0_i32_1 = arith.constant 0 : i32
    return %c0_i32, %c0_i32_0 : i32, i32
  }
  func.func @transform_4(%arg0: i32) -> (i32, i32) {
    %c0_i32 = arith.constant 0 : i32
    %c0_i32_0 = arith.constant 0 : i32
    %c0_i32_1 = arith.constant 0 : i32
    return %c0_i32, %c0_i32_0 : i32, i32
  }
}

module attributes {stable_mosaic.version = 14 : i64} {
  func.func @_loss_kernel(%arg0: memref<32x16xf32, #tpu.memory_space<vmem>>, %arg1: memref<1x1xf32, #tpu.memory_space<vmem>>) attributes {dimension_semantics = [], scalar_prefetch = 0 : i64, scratch_operands = 0 : i64, tpu.core_type = #tpu.core_type<tc>} {
    %get3A = arith.constant 0 : index
    %get3A_0 = arith.constant 0 : index
    %get3A_1 = vector.load %arg0[%get3A, %get3A_0] : memref<32x16xf32, #tpu.memory_space<vmem>>, vector<32x16xf32>
    %reduce_sum3A = vector.shape_cast %get3A_1 : vector<32x16xf32> to vector<1x32x16xf32>
    %reduce_sum3A_2 = arith.constant dense<0.000000e+00> : vector<1xf32>
    %reduce_sum3A_3 = vector.multi_reduction <add>, %reduce_sum3A, %reduce_sum3A_2 [1, 2] : vector<1x32x16xf32> to vector<1xf32>
    %reduce_sum3A_4 = vector.shape_cast %reduce_sum3A_3 : vector<1xf32> to vector<1x1x1xf32>
    %reduce_sum3A_5 = vector.extract %reduce_sum3A_4[0, 0, 0] : f32 from vector<1x1x1xf32>
    %mul3A = arith.constant 4.8828125E-4 : f32
    %mul3A_6 = arith.mulf %reduce_sum3A_5, %mul3A : f32
    %reshape3A = vector.broadcast %mul3A_6 : f32 to vector<1x1xf32>
    %swap3A = arith.constant 0 : index
    %swap3A_7 = arith.constant 0 : index
    %swap3A_8 = vector.load %arg1[%swap3A, %swap3A_7] : memref<1x1xf32, #tpu.memory_space<vmem>>, vector<1x1xf32>
    tpu.vector_store %arg1[%swap3A, %swap3A_7], %reshape3A {strides = array<i32>} : memref<1x1xf32, #tpu.memory_space<vmem>>, vector<1x1xf32>,
    return
  }
}

</mosaic_0001>

<sc_bundles>
// kernel: kernel.5.cloned.1.call-start
scs
__scs_entry_jumppad:
0x0: {  	(pc) =	sbr.rel $0x88, $3  }
0x1: {  	(tag) =	ssettag $0x0;
	lr =	simm.s32 $0x1  }
0x2: {  	[smem:$0x3F9C] =	sst lr;
	_ =	strace $0xD0000000  }
0x3: {  	_ = 	snop  }
0x4: {  	_ = 	snop  }
0x5: {  	_ = 	snop  }
0x6: {  	_ = 	snop  }
0x7: {  	_ = 	snop  }
__scs_overlays_trampoline_lowered:
0x8: {  	[smem:$0x3FAB] =	sst s0  }
0x9: {  	[smem:$0x3FAC] =	sst s1  }
0xa: {  	[smem:$0x3FAD] =	sst s2  }
0xb: {  	[smem:$0x3FAE] =	sst s3  }
0xc: {  	[smem:$0x3FAF] =	sst s4  }
0xd: {  	[smem:$0x3FB0] =	sst s5  }
0xe: {  	[smem:$0x3FB1] =	sst s6  }
0xf: {  	[smem:$0x3FB2] =	sst s7  }
0x10: {  	[smem:$0x3FB3] =	sst s8  }
0x11: {  	[smem:$0x3FB4] =	sst s9;
	s0 =	simm.s32 @!p0 $0x0  }
0x12: {  	s1 =	sld [smem:$0x3F9A];
	s0 =	simm.s32 @p0 $0x1  }
0x13: {  	[smem:$0x3FB5] =	sst s0;
	s0 =	simm.s32 @!p1 $0x0  }
0x14: {  	s2 =	sld [smem:$0x3F99];
	s0 =	simm.s32 @p1 $0x1  }
0x15: {  	[smem:$0x3FB6] =	sst s0;
	s0 =	simm.s32 @!p2 $0x0  }
0x16: {  	s3 =	sld [smem:$0x3FDB];
	s0 =	simm.s32 @p2 $0x1  }
0x17: {  	s4 =	simm.s32 $0x1BF5;
	[smem:$0x3FB8] =	sst s0  }
0x18: {  	s0 =	sld [smem:$0x3F9B];
	_ =	swait.ge [sflag:s4], $0x0  }
0x19: {  	s7 =	sld [smem:$0x3F9C]  }
0x1a: {  	s8 =	sadd.s32 $0xFFFFE003, lr  }
0x1b: {  	s9 =	sadd.s32 $0xFFFFFEF7, lr;
	s5 =	simm.s32 $0xFFFFFFFF;
	p2 =	slt.u32 s8, $0xFFFFF086  }
0x1c: {  	p1 =	slt.u32 s9, $0xF7A;
	s5 =	simm.s32 @!p2 $0x0  }
0x1d: {  	s5 =	simm.s32 @p1 $0x1;
	p0 =	seq.s32 s7, s2  }
0x1e: {  	s7 =	smul.u32 @!p0 $0xF7A, s2;
	p2 =	seq.s32 @!p0 s5, $0x0  }
0x1f: {  	s9 =	smul.u32 $0xF7A, s1;
	s8 =	simm.s32 @!p0 $0x1BF5;
	p2 =	por !p2, p0  }
0x20: {  	[sflag:s8] =	ssyncset.s32 @!p0 $0xFFFFF086;
	s6 =	sadd.s32 @!p0 s3, s7;
	s7 =	simm.s32 @!p0 $0x108  }
0x21: {  	s3 =	sadd.s32 s3, s9;
	s6 =	sadd.s32 @!p0 $0x88, s6;
	s7 =	simm.s32 @p2 $0x1082  }
0x22: {  	[simem:s7], [sflag:s8] =	dma.local @!p0 [hbm:s6], $0xF7A  }
0x23: {  	s9 =	sor.u32 $0xD0000000, s2;
	s6 =	simm.s32 $0x108;
	_ =	swait.ge @!p0 [sflag:s8], $0x0  }
0x24: {  	s3 =	sadd.s32 $0x88, s3;
	s6 =	simm.s32 @!p1 $0x1082;
	[sflag:s4] =	ssyncset.s32 $0xFFFFF086  }
0x25: {  	[simem:s6], [sflag:s4] =	dma.local [hbm:s3], $0xF7A  }
0x26: {  	[smem:$0x3F9C] =	sst s1;
	(tag) =	ssettag s2;
	_ =	strace s9  }
0x27: {  	s1 =	sld [smem:$0x3FAC]  }
0x28: {  	s2 =	sld [smem:$0x3FAD]  }
0x29: {  	s4 =	sld [smem:$0x3FAF]  }
0x2a: {  	p0 =	seq.s32 s5, $0x0;
	s5 =	sld [smem:$0x3FB0]  }
0x2b: {  	s6 =	sld [smem:$0x3FB1]  }
0x2c: {  	s7 =	sld [smem:$0x3FB2]  }
0x2d: {  	s3 =	simm.s32 $0x108;
	s8 =	sld [smem:$0x3FB3]  }
0x2e: {  	s3 =	simm.s32 @!p0 $0x1082;
	s9 =	sld [smem:$0x3FB4]  }
0x2f: {  	lr =	sadd.s32 s0, s3;
	s0 =	sld [smem:$0x3FAB]  }
0x30: {  	s3 =	sld [smem:$0x3FAE]  }
0x31: {  	[smem:$0x3FB7] =	sst s10  }
0x32: {  	s10 =	sld [smem:$0x3FB5];
	_ =	sdelay $0x3  }
0x33: {  	p0 =	seq.s32 s10, $0x1;
	s10 =	sld [smem:$0x3FB7];
	_ =	sdelay $0x3  }
0x34: {  	[smem:$0x3FB7] =	sst s10  }
0x35: {  	s10 =	sld [smem:$0x3FB6];
	_ =	sdelay $0x3  }
0x36: {  	p1 =	seq.s32 s10, $0x1;
	s10 =	sld [smem:$0x3FB7];
	_ =	sdelay $0x3  }
0x37: {  	[smem:$0x3FB7] =	sst s10  }
0x38: {  	s10 =	sld [smem:$0x3FB8]  }
0x39: {  	_ = 	snop;
	(pc) =	sbr.ind lr, $3  }
0x3a: {  	_ = 	snop  }
0x3b: {  	_ = 	snop  }
0x3c: {  	p2 =	seq.s32 s10, $0x1;
	s10 =	sld [smem:$0x3FB7]  }
0x3d: {  	_ =	shalt  }
0x3e: {  	_ =	shalt  }
0x3f: {  	_ =	shalt  }
0x40: {  	_ =	shalt  }
0x41: {  	_ =	shalt  }
0x42: {  	_ =	shalt  }
0x43: {  	_ =	shalt  }
0x44: {  	_ =	shalt  }
0x45: {  	_ =	shalt  }
0x46: {  	_ =	shalt  }
0x47: {  	_ =	shalt  }
0x48: {  	_ =	shalt  }
0x49: {  	_ =	shalt  }
0x4a: {  	_ =	shalt  }
0x4b: {  	_ =	shalt  }
0x4c: {  	_ =	shalt  }
0x4d: {  	_ =	shalt  }
0x4e: {  	_ =	shalt  }
0x4f: {  	_ =	shalt  }
0x50: {  	_ =	shalt  }
0x51: {  	_ =	shalt  }
0x52: {  	_ =	shalt  }
0x53: {  	_ =	shalt  }
0x54: {  	_ =	shalt  }
0x55: {  	_ =	shalt  }
0x56: {  	_ =	shalt  }
0x57: {  	_ =	shalt  }
0x58: {  	_ =	shalt  }
0x59: {  	_ =	shalt  }
0x5a: {  	_ =	shalt  }
0x5b: {  	_ =	shalt  }
0x5c: {  	_ =	shalt  }
0x5d: {  	_ =	shalt  }
0x5e: {  	_ =	shalt  }
0x5f: {  	_ =	shalt  }
0x60: {  	_ =	shalt  }
0x61: {  	_ =	shalt  }
0x62: {  	_ =	shalt  }
0x63: {  	_ =	shalt  }
0x64: {  	_ =	shalt  }
0x65: {  	_ =	shalt  }
0x66: {  	_ =	shalt  }
0x67: {  	_ =	shalt  }
0x68: {  	_ =	shalt  }
0x69: {  	_ =	shalt  }
0x6a: {  	_ =	shalt  }
0x6b: {  	_ =	shalt  }
0x6c: {  	_ =	shalt  }
0x6d: {  	_ =	shalt  }
0x6e: {  	_ =	shalt  }
0x6f: {  	_ =	shalt  }
0x70: {  	_ =	shalt  }
0x71: {  	_ =	shalt  }
0x72: {  	_ =	shalt  }
0x73: {  	_ =	shalt  }
0x74: {  	_ =	shalt  }
0x75: {  	_ =	shalt  }
0x76: {  	_ =	shalt  }
0x77: {  	_ =	shalt  }
0x78: {  	_ =	shalt  }
0x79: {  	_ =	shalt  }
0x7a: {  	_ =	shalt  }
0x7b: {  	_ =	shalt  }
0x7c: {  	_ =	shalt  }
0x7d: {  	_ =	shalt  }
0x7e: {  	_ =	shalt  }
0x7f: {  	_ =	shalt  }
0x80: {  	_ =	shalt  }
0x81: {  	_ =	shalt  }
0x82: {  	_ =	shalt  }
0x83: {  	_ =	shalt  }
0x84: {  	_ =	shalt  }
0x85: {  	_ =	shalt  }
0x86: {  	_ =	shalt  }
0x87: {  	_ =	shalt  }
.Lfunc_end0:
.L_simem_size_0:
called_computation.2_lowered:
.L_overlay_start_0:
0x88: {  	s2 =	sld [smem:$0x3FD9]  }
0x89: {  	s3 =	sld [smem:$0x3FFE];
	_ =	sdelay $0x1  }
0x8a: {  	s1 =	srdreg.scid  }
0x8b: {  	s0 =	sand.u32 $0x1, s1  }
0x8c: {  	s14 =	sshll.u32 s0, $0xA;
	s2 =	sadd.s32 s3, s2  }
0x8d: {  	s2 =	sadd.s32 s2, s14  }
0x8e: {  	[smem:$0x3FC3] =	sst s2  }
0x8f: {  	_ = 	snop  }
0x90: {  	s2 =	sld [smem:$0x3FD0];
	_ =	sdelay $0x2  }
0x91: {  	s4 =	simm.s32 $0xB;
	s5 =	simm.s32 $0x10;
	s15 =	sld [smem:$0x3FC5]  }
0x92: {  	[smem:s5], [sflag:s4] =	dma.local [hbm:s2], $0x1  }
0x93: {  	_ =	swait.eq [sflag:s4], $0x1  }
0x94: {  	[sflag:s4] =	ssyncset.done $0x0  }
0x95: {  	s16 =	sld [smem:$0x11];
	[sflag:s4] =	ssyncadd.s32 $0xFFFFFFFF  }
0x96: {  	s17 =	sld [smem:$0x12];
	(tm) =	ssettm $0x1  }
0x97: {  	s18 =	sld [smem:$0x3FFB];
	_ =	sdelay $0x3  }
0x98: {  	_ =	strace s18  }
0x99: {  	s5 =	sld [smem:$0x3FFC];
	_ =	sdelay $0x3  }
0x9a: {  	_ =	strace s5  }
0x9b: {  	s5 =	sld [smem:$0x3FFD];
	_ =	sdelay $0x3  }
0x9c: {  	_ =	strace s5  }
0x9d: {  	_ =	strace $0x8FFFFFFF  }
0x9e: {  	s19 =	sld [smem:$0x3FDB];
	_ =	sdelay $0x1  }
0x9f: {  	s6 =	simm.s32 $_scs_section_size  }
0xa0: {  	s7 =	simm.s32 $_size__tile_overlayer_lowered;
	s8 =	simm.s32 $_tile_overlayer_lowered  }
0xa1: {  	s22 =	simm.s32 $0x1BFF;
	s21 =	sshll.u32 s8, $0x1;
	s5 =	sadd.s32 s6, s19  }
0xa2: {  	s9 =	simm.s32 $0x0;
	s20 =	sshll.u32 s7, $0x1;
	s7 =	sadd.s32 s21, s5  }
0xa3: {  	[timem:s9], [sflag:s22] =	dma.local [hbm:s7], s20  }
0xa4: {  	_ =	swait.ge [sflag:s22], s20  }
0xa5: {  	s6 =	ssub.s32 $0x0, s20;
	[sflag:s22] =	ssyncset.done $0x0  }
0xa6: {  	[sflag:s22] =	ssyncadd.s32 s6;
	_ =	sdelay $0x1  }
0xa7: {  	s23 =	simm.s32 $0x1B8B  }
0xa8: {  	_ =	swait.ge [sflag:s23], $0x1  }
0xa9: {  	[sflag:s23] =	ssyncset.done $0x0  }
0xaa: {  	s25 =	simm.s32 $0x1B8E;
	s24 =	sld [smem:$0x3FFE];
	[sflag:s23] =	ssyncadd.s32 $0xFFFFFFFF  }
0xab: {  	s26 =	simm.s32 $execute0_lowered;
	[smem:$0x3FD2] =	sst s25  }
0xac: {  	s7 =	sshll.u32 s26, $0x1;
	_ =	strace $0x8000004C;
	[dreg:$0x1] =	wrdreg $0xFFFFFFFF  }
0xad: {  	s28 =	simm.s32 $_size_execute0_lowered;
	s5 =	sadd.s32 s5, s7;
	[dreg:$0x0] =	wrdreg $0x0  }
0xae: {  	s7 =	sshll.u32 s28, $0x1;
	[dreg:$0x2] =	wrdreg s5  }
0xaf: {  	[dreg:$0x3] =	wrdreg s7  }
0xb0: {  	[dreg:$0x4] =	wrdreg $0xC0  }
0xb1: {  	_ =	task [dreg:s9], $0x5FFFF  }
0xb2: {  	[dreg:$0x1] =	wrdreg $0xFFFFFFFF  }
0xb3: {  	[dreg:$0x0] =	wrdreg $0x60  }
0xb4: {  	[dreg:$0x2] =	wrdreg s24  }
0xb5: {  	[dreg:$0x3] =	wrdreg s16  }
0xb6: {  	[dreg:$0x4] =	wrdreg s15  }
0xb7: {  	[dreg:$0x5] =	wrdreg s17  }
0xb8: {  	[dreg:$0x6] =	wrdreg $0x9  }
0xb9: {  	_ =	task.clear_ibuf [dreg:s9], $0x7FFFF;
	_ =	strace $0x9000004C  }
0xba: {  	s29 =	simm.s32 $0x9;
	_ =	strace $0x8000004E  }
0xbb: {  	_ =	swait.ge [sflag:s29], $0x1  }
0xbc: {  	[sflag:s29] =	ssyncadd.s32 $0xFFFFFFFF  }
0xbd: {  	_ =	strace $0x9000004E  }
0xbe: {  	_ =	sfence  }
0xbf: {  	s30 =	sld [smem:$0x0];
	_ =	sdelay $0x2  }
0xc0: {  	s31 =	sshll.u32 s1, $0xD;
	s1 =	sshrl.u32 s1, $0x2  }
0xc1: {  	s3 =	sand.u32 $0x4000, s31;
	s1 =	sadd.s32 s1, s30  }
0xc2: {  	s0 =	sor.u32 s3, s0;
	s1 =	sshll.u32 s1, $0x11  }
0xc3: {  	s0 =	sor.u32 s1, s0  }
0xc4: {  	s0 =	sadd.s32 $0x8F2B, s0  }
0xc5: {  	[sflag:s0] =	ssyncadd.remote.s32 $0x1  }
0xc6: {  	_ =	sfence.sel $0xFFFF  }
0xc7: {  	[dreg:$0x0] =	wrdreg $0xFFFFFFFF;
	(pc) =	sbr.abs _section_cstart, $3  }
0xc8: {  	[dreg:$0x1] =	wrdreg $0xFFFFFFFF  }
0xc9: {  	_ =	task.clear_ibuf [dreg:s9], $0x2FFFF;
	_ =	strace $0x9FFFFFFF  }
0xca: {  	(tm) =	ssettm $0x7FFFFFFF  }
0xcb: {  	_ =	shalt  }
tec
execute0_lowered:
.L_overlay_start_1:
0x0: {  	(tag) =	ssettag $0x1  }
0x1: {  	s0 =	rddreg [dreg:$0x0]  }
0x2: {  	s1 =	rddreg [dreg:$0x1];
	s2 =	srdreg.scid  }
0x3: {  	s4 =	stileid.u32;
	s3 =	rddreg [dreg:$0x3];
	s14 =	simm.s32 $0x3  }
0x4: {  	s18 =	simm.s32 $0x10000;
	s19 =	simm.s32 $0x10800;
	s20 =	simm.s32 $0x11000  }
0x5: {  	s21 =	simm.s32 $0x11800;
	s22 =	simm.s32 $0x80;
	s23 =	simm.s32 $0x400  }
0x6: {  	s24 =	simm.s32 $0x1;
	s25 =	simm.s32 $0x15600;
	s26 =	simm.s32 $0x2  }
0x7: {  	s29 =	simm.s32 $0x0;
	s2 =	sand.u32 $0x1, s2;
	s5 =	sshll.u32 s4, $0x1  }
0x8: {  	s30 =	simm.s32 $0x0;
	s4 =	simm.s32 $0x0;
	s8 =	sor.u32 s2, s5  }
0x9: {  	[smem:$0x7FF] =	sst s4;
	s2 =	ssub.s32 $0x2, s2;
	s5 =	sshll.u32 s8, $0x7  }
0xa: {  	s6 =	sshll.u32 s8, $0x9;
	_ =	strace $0x8000004D;
	s7 =	sshll.u32 s8, $0x4  }
0xb: {  	s31 =	sshrl.u32 s2, $0x1;
	s9 =	sadd.s32 s5, s0;
	s10 =	sadd.s32 s6, s0  }
0xc: {  	s5 =	sadd.s32 $0x1C00, s0;
	s6 =	sadd.s32 $0x206E00, s0;
	s0 =	sadd.s32 s7, s0  }
0xd: {  	v3 =	vlaneseq.u32;
	s2 =	ssub.s32 s2, s31;
	s7 =	sshll.u32 s8, $0x5;
	s8 =	sshll.u32 s8, $0xA  }
0xe: {  	v0 =	vimm.f32 $0.0e+00;
	vm0 =	vmmov $0xffff;
	v2 =	vshrl.u32 v3, $0x3;
	s9 =	sadd.s32 $0x205C00, s9;
	s11 =	sadd.s32 $0x206C00, s0;
	s12 =	smax.u32 s2, $0x1  }
0xf: {  	v1 =	vand.u32 $0x7, v3;
	v3 =	vor.u32 $0x8, v3;
	v2 =	vmul.u32 $0x8, v2;
	[dreg:$0x5] =	wrdreg s9;
	s9 =	sadd.s32 $0x201C00, s10;
	s10 =	sadd.s32 s1, s8  }
.LBB2_1:
0x10: {  	s0 =	rddreg [dreg:$0x5];
	s1 =	simm.s32 $0x12000  }
0x11: {  	[tilespmem:s1], [sflag:$0x3] =	stream.linear.gather [hbm4b:s0+s4], $0x400, $0x38;
	[tilespmem:$0x15780] =	vst v63  }
0x12: {  	_ =	swait.ge [sflag:s14], $0x400  }
0x13: {  	[sflag:s14] =	ssyncset.done $0x0  }
0x14: {  	s16 =	simm.s32 $0x12480;
	[sflag:s14] =	ssyncadd.s32 $0xFFFFFC00  }
0x15: {  	[tilespmem:s16], [sflag:$0x3] =	stream.linear.gather [hbm4b:s9+s4], $0x1000, $0x38;
	[tilespmem:$0x15780] =	vst v63  }
0x16: {  	_ =	swait.ge [sflag:s14], $0x1000  }
0x17: {  	[sflag:s14] =	ssyncset.done $0x0  }
0x18: {  	s17 =	simm.s32 $0x13500;
	[sflag:s14] =	ssyncadd.s32 $0xFFFFF000  }
0x19: {  	[tilespmem:s17], [sflag:$0x3] =	stream.linear.gather [hbm4b:s10+s4], $0x2000, $0x38;
	[tilespmem:$0x15780] =	vst v63  }
0x1a: {  	_ =	swait.ge [sflag:s14], $0x2000  }
0x1b: {  	[sflag:s14] =	ssyncset.done $0x0  }
0x1c: {  	[sflag:s14] =	ssyncadd.s32 $0xFFFFE000  }
0x1d: {  	s31 =	simm.s32 $0x15500;
	s28 =	rddreg [dreg:$0x2]  }
0x1e: {  	[tilespmem:s31], [sflag:$0x3] =	stream.linear.gather [hbm4b:s28+s4], $0x100, $0x38;
	[tilespmem:$0x15780] =	vst v63  }
0x1f: {  	_ =	swait.ge [sflag:s14], $0x100  }
0x20: {  	[sflag:s14] =	ssyncset.done $0x0  }
0x21: {  	[sflag:s14] =	ssyncadd.s32 $0xFFFFFF00  }
0x22: {  	s0 =	simm.s32 $0x0;
	[tilespmem:$0x15700] =	vst v0  }
.LBB2_2:
0x23: {  	p0 =	sne.s32 s0, $0x3FFC0  }
.Ltmp0:
0x24: {  	_ = 	snop;
	(pc) =	sbr.rel @p0 .LBB2_2-.Ltmp0, $3  }
0x25: {  	_ =	sdelay $0x1  }
0x26: {  	s1 =	sshra.s32 s0, $0x2  }
0x27: {  	s0 =	sadd.s32 $0x40, s0;
	[tilespmem:s1+$0x0] =	vst v0  }
0x28: {  	s31 =	simm.s32 $0x12000;
	s1 =	simm.s32 $0x0  }
.LBB2_4:
0x29: {  	s0 =	sshll.u32 s1, $0x7  }
0x2a: {  	v4 =	vld [tilespmem:s0+$0x12480];
	_ =	sdelay $0x4  }
0x2b: {  	v5 =	vshll.u32 v4, $0x1  }
0x2c: {  	v6 =	vand.u32 $0x7, v4;
	v5 =	vand.u32 $0xFFFFFFF0, v5  }
0x2d: {  	v5 =	vor.u32 v6, v5  }
0x2e: {  	[tilespmem:$0x13480] =	vst v4;
	v4 =	vperm.xlane v5, v1  }
0x2f: {  	v6 =	vld [tilespmem:s0+$0x12490]  }
0x30: {  	v5 =	vperm.xlane v5, v3;
	v4 =	vadd.s32 v2, v4;
	_ =	sdelay $0x1  }
0x31: {  	v5 =	vadd.s32 v2, v5;
	_ =	sdelay $0x1  }
0x32: {  	[tilespmem:$0x13490] =	vst v6  }
0x33: {  	[tilespmem:s18], [sflag:$0x1] =	stream.indirect_vreg.gather [hbm4b:s5+s30], $0x80, v4, vm0, $0xb8;
	[tilespmem:$0x15780] =	vst v63  }
0x34: {  	_ = 	snop  }
0x35: {  	[tilespmem:s19], [sflag:$0x1] =	stream.indirect_vreg.gather [hbm4b:s5+s30], $0x80, v5, vm0, $0xb8;
	[tilespmem:$0x15780] =	vst v63  }
0x36: {  	v4 =	vld [tilespmem:$0x13490];
	_ =	sdelay $0x4  }
0x37: {  	v5 =	vshll.u32 v4, $0x1  }
0x38: {  	v4 =	vand.u32 $0x7, v4;
	v5 =	vand.u32 $0xFFFFFFF0, v5  }
0x39: {  	v4 =	vor.u32 v4, v5  }
0x3a: {  	v5 =	vperm.xlane v4, v1;
	_ =	sdelay $0x1  }
0x3b: {  	v4 =	vperm.xlane v4, v3;
	v5 =	vadd.s32 v2, v5;
	_ =	sdelay $0x1  }
0x3c: {  	v4 =	vadd.s32 v2, v4;
	_ =	sdelay $0x2  }
0x3d: {  	[tilespmem:s20], [sflag:$0x1] =	stream.indirect_vreg.gather [hbm4b:s5+s30], $0x80, v5, vm0, $0xb8;
	[tilespmem:$0x15780] =	vst v63  }
0x3e: {  	_ = 	snop  }
0x3f: {  	[tilespmem:s21], [sflag:$0x1] =	stream.indirect_vreg.gather [hbm4b:s5+s30], $0x80, v4, vm0, $0xb8;
	[tilespmem:$0x15780] =	vst v63  }
0x40: {  	v5 =	vld [tilespmem:$0x13480]  }
0x41: {  	s2 =	sshrl.u32 s0, $0x2;
	v4 =	vld [tilespmem:$0x13490]  }
0x42: {  	v6 =	vld [tilespmem:s2+$0x12000]  }
0x43: {  	v7 =	vld [tilespmem:s2+$0x12010]  }
0x44: {  	s16 =	sadd.s32 s7, s1  }
0x45: {  	s2 =	sshrl.u32 s16, $0x3  }
0x46: {  	s0 =	sand.u32 $0x380, s0;
	s8 =	sshll.u32 s2, $0x13  }
0x47: {  	s8 =	sor.u32 s0, s8;
	v6 =	vmax.f32 v6, $0.0e+00  }
0x48: {  	s8 =	sshrl.u32 s8, $0x3;
	v7 =	vmax.f32 v7, $0.0e+00;
	[tilespmem:v5+s30+$0x0] =	vst.idx.msk $0xffff, v6  }
0x49: {  	s8 =	sadd.s32 s3, s8;
	[tilespmem:v4+s30+$0x0] =	vst.idx.msk $0xffff, v7  }
0x4a: {  	[hbm4b:s8+s22] =	stream.strided.scatter [tilespmem:s30], [sflag:$0x2], $0x10000, s23, s22, $0x38;
	[tilespmem:$0x15780] =	vst v63  }
0x4b: {  	_ =	swait.ge [sflag:s24], $0x2000  }
0x4c: {  	[sflag:s24] =	ssyncset.done $0x0  }
0x4d: {  	[sflag:s24] =	ssyncadd.s32 $0xFFFFE000  }
0x4e: {  	v6 =	vld [tilespmem:$0x15500]  }
0x4f: {  	v7 =	vld [tilespmem:$0x15510]  }
0x50: {  	v8 =	vld [tilespmem:$0x15520]  }
0x51: {  	v9 =	vld [tilespmem:$0x15530]  }
0x52: {  	v10 =	vld [tilespmem:$0x15540]  }
0x53: {  	v11 =	vld [tilespmem:$0x15550];
	[tilespmem:$0x15600] =	vst v6  }
0x54: {  	v12 =	vld [tilespmem:$0x15560];
	[tilespmem:$0x15610] =	vst v7  }
0x55: {  	v13 =	vld [tilespmem:$0x15570];
	[tilespmem:$0x15620] =	vst v8  }
0x56: {  	v14 =	vld [tilespmem:$0x15580];
	[tilespmem:$0x15630] =	vst v9  }
0x57: {  	v15 =	vld [tilespmem:$0x15590];
	[tilespmem:$0x15640] =	vst v10  }
0x58: {  	v16 =	vld [tilespmem:$0x155A0];
	[tilespmem:$0x15650] =	vst v11  }
0x59: {  	v17 =	vld [tilespmem:$0x155B0];
	[tilespmem:$0x15660] =	vst v12  }
0x5a: {  	v18 =	vld [tilespmem:$0x155C0];
	[tilespmem:$0x15670] =	vst v13  }
0x5b: {  	v19 =	vld [tilespmem:$0x155D0];
	[tilespmem:$0x15680] =	vst v14  }
0x5c: {  	v20 =	vld [tilespmem:$0x155E0];
	[tilespmem:$0x15690] =	vst v15  }
0x5d: {  	v21 =	vld [tilespmem:$0x155F0];
	[tilespmem:$0x156A0] =	vst v16  }
0x5e: {  	[tilespmem:$0x156B0] =	vst v17  }
0x5f: {  	[tilespmem:$0x156C0] =	vst v18  }
0x60: {  	[tilespmem:$0x156D0] =	vst v19  }
0x61: {  	[tilespmem:$0x156E0] =	vst v20  }
0x62: {  	[tilespmem:$0x156F0] =	vst v21  }
0x63: {  	v22 =	vld [tilespmem:s31+$0x0];
	_ =	sdelay $0x4  }
0x64: {  	(v2sf) =	vpush v22, $0x0;
	_ =	sdelay $0x9  }
0x65: {  	s17 =	sand.u32 $0x1800, s30;
	s13 =	sand.u32 $0x380, s30  }
0x66: {  	s8 =	sor.u32 s13, s17  }
0x67: {  	v22 =	vld [tilespmem:s8+$0x10000];
	_ =	sdelay $0x2  }
0x68: {  	s28 =	spop (v2sf)  }
0x69: {  	s13 =	smax.f32 s28, $0.0e+00  }
0x6a: {  	v22 =	vmul.f32 s13, v22;
	_ =	sdelay $0x1  }
0x6b: {  	v6 =	vadd.f32 v22, v6;
	_ =	sdelay $0x1  }
0x6c: {  	[tilespmem:$0x15600] =	vst v6  }
0x6d: {  	v22 =	vld [tilespmem:s8+$0x10010];
	_ =	sdelay $0x4  }
0x6e: {  	v22 =	vmul.f32 s13, v22;
	_ =	sdelay $0x1  }
0x6f: {  	v7 =	vadd.f32 v22, v7;
	_ =	sdelay $0x1  }
0x70: {  	[tilespmem:$0x15610] =	vst v7  }
0x71: {  	v22 =	vld [tilespmem:s8+$0x10020];
	_ =	sdelay $0x4  }
0x72: {  	v22 =	vmul.f32 s13, v22;
	_ =	sdelay $0x1  }
0x73: {  	v8 =	vadd.f32 v22, v8;
	_ =	sdelay $0x1  }
0x74: {  	[tilespmem:$0x15620] =	vst v8  }
0x75: {  	v22 =	vld [tilespmem:s8+$0x10030];
	_ =	sdelay $0x4  }
0x76: {  	v22 =	vmul.f32 s13, v22;
	_ =	sdelay $0x1  }
0x77: {  	v9 =	vadd.f32 v22, v9;
	_ =	sdelay $0x1  }
0x78: {  	[tilespmem:$0x15630] =	vst v9  }
0x79: {  	v22 =	vld [tilespmem:s8+$0x10040];
	_ =	sdelay $0x4  }
0x7a: {  	v22 =	vmul.f32 s13, v22;
	_ =	sdelay $0x1  }
0x7b: {  	v10 =	vadd.f32 v22, v10;
	_ =	sdelay $0x1  }
0x7c: {  	[tilespmem:$0x15640] =	vst v10  }
0x7d: {  	v22 =	vld [tilespmem:s8+$0x10050];
	_ =	sdelay $0x4  }
0x7e: {  	v22 =	vmul.f32 s13, v22;
	_ =	sdelay $0x1  }
0x7f: {  	v11 =	vadd.f32 v22, v11;
	_ =	sdelay $0x1  }
0x80: {  	[tilespmem:$0x15650] =	vst v11  }
0x81: {  	v22 =	vld [tilespmem:s8+$0x10060];
	_ =	sdelay $0x4  }
0x82: {  	v22 =	vmul.f32 s13, v22;
	_ =	sdelay $0x1  }
0x83: {  	v12 =	vadd.f32 v22, v12;
	_ =	sdelay $0x1  }
0x84: {  	[tilespmem:$0x15660] =	vst v12  }
0x85: {  	v22 =	vld [tilespmem:s8+$0x10070];
	_ =	sdelay $0x4  }
0x86: {  	v22 =	vmul.f32 s13, v22;
	_ =	sdelay $0x1  }
0x87: {  	v13 =	vadd.f32 v22, v13;
	_ =	sdelay $0x1  }
0x88: {  	[tilespmem:$0x15670] =	vst v13  }
0x89: {  	v22 =	vld [tilespmem:s8+$0x10400];
	_ =	sdelay $0x4  }
0x8a: {  	v22 =	vmul.f32 s13, v22;
	_ =	sdelay $0x1  }
0x8b: {  	v14 =	vadd.f32 v22, v14;
	_ =	sdelay $0x1  }
0x8c: {  	[tilespmem:$0x15680] =	vst v14  }
0x8d: {  	v22 =	vld [tilespmem:s8+$0x10410];
	_ =	sdelay $0x4  }
0x8e: {  	v22 =	vmul.f32 s13, v22;
	_ =	sdelay $0x1  }
0x8f: {  	v15 =	vadd.f32 v22, v15;
	_ =	sdelay $0x1  }
0x90: {  	[tilespmem:$0x15690] =	vst v15  }
0x91: {  	v22 =	vld [tilespmem:s8+$0x10420];
	_ =	sdelay $0x4  }
0x92: {  	v22 =	vmul.f32 s13, v22;
	_ =	sdelay $0x1  }
0x93: {  	v16 =	vadd.f32 v22, v16;
	_ =	sdelay $0x1  }
0x94: {  	[tilespmem:$0x156A0] =	vst v16  }
0x95: {  	v22 =	vld [tilespmem:s8+$0x10430];
	_ =	sdelay $0x4  }
0x96: {  	v22 =	vmul.f32 s13, v22;
	_ =	sdelay $0x1  }
0x97: {  	v17 =	vadd.f32 v22, v17;
	_ =	sdelay $0x1  }
0x98: {  	[tilespmem:$0x156B0] =	vst v17  }
0x99: {  	v22 =	vld [tilespmem:s8+$0x10440];
	_ =	sdelay $0x4  }
0x9a: {  	v22 =	vmul.f32 s13, v22;
	_ =	sdelay $0x1  }
0x9b: {  	v18 =	vadd.f32 v22, v18;
	_ =	sdelay $0x1  }
0x9c: {  	[tilespmem:$0x156C0] =	vst v18  }
0x9d: {  	v22 =	vld [tilespmem:s8+$0x10450];
	_ =	sdelay $0x4  }
0x9e: {  	v22 =	vmul.f32 s13, v22;
	_ =	sdelay $0x1  }
0x9f: {  	v19 =	vadd.f32 v22, v19;
	_ =	sdelay $0x1  }
0xa0: {  	[tilespmem:$0x156D0] =	vst v19  }
0xa1: {  	v22 =	vld [tilespmem:s8+$0x10460];
	_ =	sdelay $0x4  }
0xa2: {  	v22 =	vmul.f32 s13, v22;
	_ =	sdelay $0x1  }
0xa3: {  	v20 =	vadd.f32 v22, v20;
	_ =	sdelay $0x1  }
0xa4: {  	[tilespmem:$0x156E0] =	vst v20  }
0xa5: {  	v22 =	vld [tilespmem:s8+$0x10470];
	_ =	sdelay $0x4  }
0xa6: {  	v22 =	vmul.f32 s13, v22;
	_ =	sdelay $0x1  }
0xa7: {  	v21 =	vadd.f32 v22, v21;
	_ =	sdelay $0x1  }
0xa8: {  	s15 =	sadd.s32 $0x1, s31;
	[tilespmem:$0x156F0] =	vst v21  }
0xa9: {  	s16 =	simm.s32 $0x0;
	s17 =	simm.s32 $0x200;
	s13 =	simm.s32 $0x100;
	v22 =	vld [tilespmem:s15+$0x0]  }
.LBB2_5:
0xaa: {  	p0 =	sne.s32 s17, $0x1F00;
	_ =	sdelay $0x3  }
0xab: {  	(v2sf) =	vpush v22, $0x0;
	_ =	sdelay $0x8  }
0xac: {  	s16 =	sadd.s32 $0x80, s16  }
0xad: {  	s8 =	sand.u32 $0x1800, s13;
	s13 =	smov.u32 s17;
	s28 =	sand.u32 $0x380, s16  }
0xae: {  	s28 =	sor.u32 s28, s8  }
0xaf: {  	v22 =	vld [tilespmem:s28+$0x10000];
	_ =	sdelay $0x2  }
0xb0: {  	s8 =	spop (v2sf)  }
0xb1: {  	s8 =	smax.f32 s8, $0.0e+00  }
0xb2: {  	v22 =	vmul.f32 s8, v22;
	_ =	sdelay $0x1  }
0xb3: {  	v6 =	vadd.f32 v22, v6;
	_ =	sdelay $0x1  }
0xb4: {  	[tilespmem:$0x15600] =	vst v6  }
0xb5: {  	v22 =	vld [tilespmem:s28+$0x10010];
	_ =	sdelay $0x4  }
0xb6: {  	v22 =	vmul.f32 s8, v22;
	_ =	sdelay $0x1  }
0xb7: {  	v7 =	vadd.f32 v22, v7;
	_ =	sdelay $0x1  }
0xb8: {  	[tilespmem:$0x15610] =	vst v7  }
0xb9: {  	v22 =	vld [tilespmem:s28+$0x10020];
	_ =	sdelay $0x4  }
0xba: {  	v22 =	vmul.f32 s8, v22;
	_ =	sdelay $0x1  }
0xbb: {  	v8 =	vadd.f32 v22, v8;
	_ =	sdelay $0x1  }
0xbc: {  	[tilespmem:$0x15620] =	vst v8  }
0xbd: {  	v22 =	vld [tilespmem:s28+$0x10030];
	_ =	sdelay $0x4  }
0xbe: {  	v22 =	vmul.f32 s8, v22;
	_ =	sdelay $0x1  }
0xbf: {  	v9 =	vadd.f32 v22, v9;
	_ =	sdelay $0x1  }
0xc0: {  	[tilespmem:$0x15630] =	vst v9  }
0xc1: {  	v22 =	vld [tilespmem:s28+$0x10040];
	_ =	sdelay $0x4  }
0xc2: {  	v22 =	vmul.f32 s8, v22;
	_ =	sdelay $0x1  }
0xc3: {  	v10 =	vadd.f32 v22, v10;
	_ =	sdelay $0x1  }
0xc4: {  	[tilespmem:$0x15640] =	vst v10  }
0xc5: {  	v22 =	vld [tilespmem:s28+$0x10050];
	_ =	sdelay $0x4  }
0xc6: {  	v22 =	vmul.f32 s8, v22;
	_ =	sdelay $0x1  }
0xc7: {  	v11 =	vadd.f32 v22, v11;
	_ =	sdelay $0x1  }
0xc8: {  	[tilespmem:$0x15650] =	vst v11  }
0xc9: {  	v22 =	vld [tilespmem:s28+$0x10060];
	_ =	sdelay $0x4  }
0xca: {  	v22 =	vmul.f32 s8, v22;
	_ =	sdelay $0x1  }
0xcb: {  	v12 =	vadd.f32 v22, v12;
	_ =	sdelay $0x1  }
0xcc: {  	[tilespmem:$0x15660] =	vst v12  }
0xcd: {  	v22 =	vld [tilespmem:s28+$0x10070];
	_ =	sdelay $0x4  }
0xce: {  	v22 =	vmul.f32 s8, v22;
	_ =	sdelay $0x1  }
0xcf: {  	v13 =	vadd.f32 v22, v13;
	_ =	sdelay $0x1  }
0xd0: {  	[tilespmem:$0x15670] =	vst v13  }
0xd1: {  	v22 =	vld [tilespmem:s28+$0x10400];
	_ =	sdelay $0x4  }
0xd2: {  	v22 =	vmul.f32 s8, v22;
	_ =	sdelay $0x1  }
0xd3: {  	v14 =	vadd.f32 v22, v14;
	_ =	sdelay $0x1  }
0xd4: {  	[tilespmem:$0x15680] =	vst v14  }
0xd5: {  	v22 =	vld [tilespmem:s28+$0x10410];
	_ =	sdelay $0x4  }
0xd6: {  	v22 =	vmul.f32 s8, v22;
	_ =	sdelay $0x1  }
0xd7: {  	v15 =	vadd.f32 v22, v15;
	_ =	sdelay $0x1  }
0xd8: {  	[tilespmem:$0x15690] =	vst v15  }
0xd9: {  	v22 =	vld [tilespmem:s28+$0x10420];
	_ =	sdelay $0x4  }
0xda: {  	v22 =	vmul.f32 s8, v22;
	_ =	sdelay $0x1  }
0xdb: {  	v16 =	vadd.f32 v22, v16;
	_ =	sdelay $0x1  }
0xdc: {  	[tilespmem:$0x156A0] =	vst v16  }
0xdd: {  	v22 =	vld [tilespmem:s28+$0x10430];
	_ =	sdelay $0x4  }
0xde: {  	v22 =	vmul.f32 s8, v22;
	_ =	sdelay $0x1  }
0xdf: {  	v17 =	vadd.f32 v22, v17;
	_ =	sdelay $0x1  }
0xe0: {  	[tilespmem:$0x156B0] =	vst v17  }
0xe1: {  	v22 =	vld [tilespmem:s28+$0x10440];
	_ =	sdelay $0x4  }
0xe2: {  	v22 =	vmul.f32 s8, v22;
	_ =	sdelay $0x1  }
0xe3: {  	v18 =	vadd.f32 v22, v18;
	_ =	sdelay $0x1  }
0xe4: {  	[tilespmem:$0x156C0] =	vst v18  }
0xe5: {  	v22 =	vld [tilespmem:s28+$0x10450];
	_ =	sdelay $0x4  }
0xe6: {  	v22 =	vmul.f32 s8, v22;
	_ =	sdelay $0x1  }
0xe7: {  	v19 =	vadd.f32 v22, v19;
	_ =	sdelay $0x1  }
0xe8: {  	[tilespmem:$0x156D0] =	vst v19  }
0xe9: {  	v22 =	vld [tilespmem:s28+$0x10460];
	_ =	sdelay $0x4  }
0xea: {  	v22 =	vmul.f32 s8, v22;
	_ =	sdelay $0x1  }
0xeb: {  	v20 =	vadd.f32 v22, v20;
	_ =	sdelay $0x1  }
0xec: {  	[tilespmem:$0x156E0] =	vst v20  }
0xed: {  	v22 =	vld [tilespmem:s28+$0x10470];
	_ =	sdelay $0x4  }
0xee: {  	v22 =	vmul.f32 s8, v22  }
.Ltmp1:
0xef: {  	(pc) =	sbr.rel @p0 .LBB2_5-.Ltmp1, $3  }
0xf0: {  	v21 =	vadd.f32 v22, v21;
	_ =	sdelay $0x1  }
0xf1: {  	s15 =	sadd.s32 $0x1, s15;
	[tilespmem:$0x156F0] =	vst v21  }
0xf2: {  	s17 =	sadd.s32 $0x100, s17;
	v22 =	vld [tilespmem:s15+$0x0]  }
0xf3: {  	_ =	sdelay $0x3  }
0xf4: {  	(v2sf) =	vpush v22, $0x0;
	_ =	sdelay $0x8  }
0xf5: {  	s8 =	sadd.s32 $0x80, s16  }
0xf6: {  	s13 =	sand.u32 $0x1800, s13;
	s8 =	sand.u32 $0x380, s8  }
0xf7: {  	s8 =	sor.u32 s8, s13  }
0xf8: {  	v31 =	vld [tilespmem:s8+$0x10000];
	_ =	sdelay $0x2  }
0xf9: {  	s16 =	spop (v2sf)  }
0xfa: {  	s13 =	smax.f32 s16, $0.0e+00  }
0xfb: {  	v22 =	vmul.f32 s13, v31;
	_ =	sdelay $0x1  }
0xfc: {  	v6 =	vadd.f32 v22, v6;
	_ =	sdelay $0x1  }
0xfd: {  	[tilespmem:$0x15600] =	vst v6  }
0xfe: {  	v32 =	vld [tilespmem:s8+$0x10010];
	_ =	sdelay $0x4  }
0xff: {  	v22 =	vmul.f32 s13, v32;
	_ =	sdelay $0x1  }
0x100: {  	v7 =	vadd.f32 v22, v7;
	_ =	sdelay $0x1  }
0x101: {  	[tilespmem:$0x15610] =	vst v7  }
0x102: {  	v7 =	vld [tilespmem:s8+$0x10020];
	_ =	sdelay $0x4  }
0x103: {  	v7 =	vmul.f32 s13, v7;
	_ =	sdelay $0x1  }
0x104: {  	v7 =	vadd.f32 v7, v8;
	_ =	sdelay $0x1  }
0x105: {  	[tilespmem:$0x15620] =	vst v7  }
0x106: {  	v7 =	vld [tilespmem:s8+$0x10030];
	_ =	sdelay $0x4  }
0x107: {  	v7 =	vmul.f32 s13, v7;
	_ =	sdelay $0x1  }
0x108: {  	v7 =	vadd.f32 v7, v9;
	_ =	sdelay $0x1  }
0x109: {  	[tilespmem:$0x15630] =	vst v7  }
0x10a: {  	v7 =	vld [tilespmem:s8+$0x10040];
	_ =	sdelay $0x4  }
0x10b: {  	v7 =	vmul.f32 s13, v7;
	_ =	sdelay $0x1  }
0x10c: {  	v7 =	vadd.f32 v7, v10;
	_ =	sdelay $0x1  }
0x10d: {  	[tilespmem:$0x15640] =	vst v7  }
0x10e: {  	v7 =	vld [tilespmem:s8+$0x10050];
	_ =	sdelay $0x4  }
0x10f: {  	v7 =	vmul.f32 s13, v7;
	_ =	sdelay $0x1  }
0x110: {  	v7 =	vadd.f32 v7, v11;
	_ =	sdelay $0x1  }
0x111: {  	[tilespmem:$0x15650] =	vst v7  }
0x112: {  	v7 =	vld [tilespmem:s8+$0x10060];
	_ =	sdelay $0x4  }
0x113: {  	v7 =	vmul.f32 s13, v7;
	_ =	sdelay $0x1  }
0x114: {  	v7 =	vadd.f32 v7, v12;
	_ =	sdelay $0x1  }
0x115: {  	[tilespmem:$0x15660] =	vst v7  }
0x116: {  	v7 =	vld [tilespmem:s8+$0x10070];
	_ =	sdelay $0x4  }
0x117: {  	v7 =	vmul.f32 s13, v7;
	_ =	sdelay $0x1  }
0x118: {  	v7 =	vadd.f32 v7, v13;
	_ =	sdelay $0x1  }
0x119: {  	[tilespmem:$0x15670] =	vst v7  }
0x11a: {  	v7 =	vld [tilespmem:s8+$0x10400];
	_ =	sdelay $0x4  }
0x11b: {  	v7 =	vmul.f32 s13, v7;
	_ =	sdelay $0x1  }
0x11c: {  	v7 =	vadd.f32 v7, v14;
	_ =	sdelay $0x1  }
0x11d: {  	[tilespmem:$0x15680] =	vst v7  }
0x11e: {  	v7 =	vld [tilespmem:s8+$0x10410];
	_ =	sdelay $0x4  }
0x11f: {  	v7 =	vmul.f32 s13, v7;
	_ =	sdelay $0x1  }
0x120: {  	v7 =	vadd.f32 v7, v15;
	_ =	sdelay $0x1  }
0x121: {  	[tilespmem:$0x15690] =	vst v7  }
0x122: {  	v7 =	vld [tilespmem:s8+$0x10420];
	_ =	sdelay $0x4  }
0x123: {  	v7 =	vmul.f32 s13, v7;
	_ =	sdelay $0x1  }
0x124: {  	v7 =	vadd.f32 v7, v16;
	_ =	sdelay $0x1  }
0x125: {  	[tilespmem:$0x156A0] =	vst v7  }
0x126: {  	v7 =	vld [tilespmem:s8+$0x10430];
	_ =	sdelay $0x4  }
0x127: {  	v7 =	vmul.f32 s13, v7;
	_ =	sdelay $0x1  }
0x128: {  	v7 =	vadd.f32 v7, v17;
	_ =	sdelay $0x1  }
0x129: {  	[tilespmem:$0x156B0] =	vst v7  }
0x12a: {  	v7 =	vld [tilespmem:s8+$0x10440];
	_ =	sdelay $0x4  }
0x12b: {  	v7 =	vmul.f32 s13, v7;
	_ =	sdelay $0x1  }
0x12c: {  	v7 =	vadd.f32 v7, v18;
	_ =	sdelay $0x1  }
0x12d: {  	[tilespmem:$0x156C0] =	vst v7  }
0x12e: {  	v7 =	vld [tilespmem:s8+$0x10450];
	_ =	sdelay $0x4  }
0x12f: {  	v7 =	vmul.f32 s13, v7;
	_ =	sdelay $0x1  }
0x130: {  	v7 =	vadd.f32 v7, v19;
	_ =	sdelay $0x1  }
0x131: {  	[tilespmem:$0x156D0] =	vst v7  }
0x132: {  	v7 =	vld [tilespmem:s8+$0x10460];
	_ =	sdelay $0x4  }
0x133: {  	v7 =	vmul.f32 s13, v7;
	_ =	sdelay $0x1  }
0x134: {  	v7 =	vadd.f32 v7, v20;
	_ =	sdelay $0x1  }
0x135: {  	[tilespmem:$0x156E0] =	vst v7  }
0x136: {  	v7 =	vld [tilespmem:s8+$0x10470];
	_ =	sdelay $0x4  }
0x137: {  	v7 =	vmul.f32 s13, v7;
	_ =	sdelay $0x1  }
0x138: {  	s17 =	sshll.u32 s1, $0x8;
	v7 =	vadd.f32 v7, v21  }
0x139: {  	s8 =	sand.u32 $0x1800, s17  }
0x13a: {  	s8 =	sor.u32 s0, s8;
	[tilespmem:$0x156F0] =	vst v7  }
0x13b: {  	v7 =	vld [tilespmem:s8+$0x13500];
	_ =	sdelay $0x3  }
0x13c: {  	v33 =	vld [tilespmem:$0x15700]  }
0x13d: {  	v6 =	vsub.f32 v6, v7;
	_ =	sdelay $0x1  }
0x13e: {  	v6 =	vmul.f32 v6, v6;
	_ =	sdelay $0x1  }
0x13f: {  	v6 =	vadd.f32 v6, v33;
	_ =	sdelay $0x1  }
0x140: {  	v34 =	vld [tilespmem:$0x15610];
	s8 =	sadd.s32 $0x13500, s8;
	[tilespmem:$0x15700] =	vst v6  }
0x141: {  	v35 =	vld [tilespmem:s8+$0x10];
	_ =	sdelay $0x4  }
0x142: {  	v7 =	vsub.f32 v34, v35;
	_ =	sdelay $0x1  }
0x143: {  	v7 =	vmul.f32 v7, v7;
	_ =	sdelay $0x1  }
0x144: {  	v6 =	vadd.f32 v7, v6;
	_ =	sdelay $0x1  }
0x145: {  	v36 =	vld [tilespmem:$0x15620];
	[tilespmem:$0x15700] =	vst v6  }
0x146: {  	v37 =	vld [tilespmem:s8+$0x20];
	_ =	sdelay $0x4  }
0x147: {  	v7 =	vsub.f32 v36, v37;
	_ =	sdelay $0x1  }
0x148: {  	v7 =	vmul.f32 v7, v7;
	_ =	sdelay $0x1  }
0x149: {  	v6 =	vadd.f32 v7, v6;
	_ =	sdelay $0x1  }
0x14a: {  	v38 =	vld [tilespmem:$0x15630];
	[tilespmem:$0x15700] =	vst v6  }
0x14b: {  	v39 =	vld [tilespmem:s8+$0x30];
	_ =	sdelay $0x4  }
0x14c: {  	v7 =	vsub.f32 v38, v39;
	_ =	sdelay $0x1  }
0x14d: {  	v7 =	vmul.f32 v7, v7;
	_ =	sdelay $0x1  }
0x14e: {  	v6 =	vadd.f32 v7, v6;
	_ =	sdelay $0x1  }
0x14f: {  	v40 =	vld [tilespmem:$0x15640];
	[tilespmem:$0x15700] =	vst v6  }
0x150: {  	v41 =	vld [tilespmem:s8+$0x40];
	_ =	sdelay $0x4  }
0x151: {  	v7 =	vsub.f32 v40, v41;
	_ =	sdelay $0x1  }
0x152: {  	v7 =	vmul.f32 v7, v7;
	_ =	sdelay $0x1  }
0x153: {  	v6 =	vadd.f32 v7, v6;
	_ =	sdelay $0x1  }
0x154: {  	v42 =	vld [tilespmem:$0x15650];
	[tilespmem:$0x15700] =	vst v6  }
0x155: {  	v43 =	vld [tilespmem:s8+$0x50];
	_ =	sdelay $0x4  }
0x156: {  	v7 =	vsub.f32 v42, v43;
	_ =	sdelay $0x1  }
0x157: {  	v7 =	vmul.f32 v7, v7;
	_ =	sdelay $0x1  }
0x158: {  	v6 =	vadd.f32 v7, v6;
	_ =	sdelay $0x1  }
0x159: {  	v44 =	vld [tilespmem:$0x15660];
	[tilespmem:$0x15700] =	vst v6  }
0x15a: {  	v45 =	vld [tilespmem:s8+$0x60];
	_ =	sdelay $0x4  }
0x15b: {  	v7 =	vsub.f32 v44, v45;
	_ =	sdelay $0x1  }
0x15c: {  	v7 =	vmul.f32 v7, v7;
	_ =	sdelay $0x1  }
0x15d: {  	v6 =	vadd.f32 v7, v6;
	_ =	sdelay $0x1  }
0x15e: {  	v46 =	vld [tilespmem:$0x15670];
	[tilespmem:$0x15700] =	vst v6  }
0x15f: {  	v47 =	vld [tilespmem:s8+$0x70];
	_ =	sdelay $0x4  }
0x160: {  	v7 =	vsub.f32 v46, v47;
	_ =	sdelay $0x1  }
0x161: {  	v7 =	vmul.f32 v7, v7;
	_ =	sdelay $0x1  }
0x162: {  	v6 =	vadd.f32 v7, v6;
	_ =	sdelay $0x1  }
0x163: {  	v48 =	vld [tilespmem:$0x15680];
	[tilespmem:$0x15700] =	vst v6  }
0x164: {  	v49 =	vld [tilespmem:s8+$0x400];
	_ =	sdelay $0x4  }
0x165: {  	v7 =	vsub.f32 v48, v49;
	_ =	sdelay $0x1  }
0x166: {  	v7 =	vmul.f32 v7, v7;
	_ =	sdelay $0x1  }
0x167: {  	v6 =	vadd.f32 v7, v6;
	_ =	sdelay $0x1  }
0x168: {  	v50 =	vld [tilespmem:$0x15690];
	[tilespmem:$0x15700] =	vst v6  }
0x169: {  	v51 =	vld [tilespmem:s8+$0x410];
	_ =	sdelay $0x4  }
0x16a: {  	v7 =	vsub.f32 v50, v51;
	_ =	sdelay $0x1  }
0x16b: {  	v7 =	vmul.f32 v7, v7;
	_ =	sdelay $0x1  }
0x16c: {  	v6 =	vadd.f32 v7, v6;
	_ =	sdelay $0x1  }
0x16d: {  	v52 =	vld [tilespmem:$0x156A0];
	[tilespmem:$0x15700] =	vst v6  }
0x16e: {  	v53 =	vld [tilespmem:s8+$0x420];
	_ =	sdelay $0x4  }
0x16f: {  	v7 =	vsub.f32 v52, v53;
	_ =	sdelay $0x1  }
0x170: {  	v7 =	vmul.f32 v7, v7;
	_ =	sdelay $0x1  }
0x171: {  	v6 =	vadd.f32 v7, v6;
	_ =	sdelay $0x1  }
0x172: {  	v54 =	vld [tilespmem:$0x156B0];
	[tilespmem:$0x15700] =	vst v6  }
0x173: {  	v55 =	vld [tilespmem:s8+$0x430];
	_ =	sdelay $0x4  }
0x174: {  	v7 =	vsub.f32 v54, v55;
	_ =	sdelay $0x1  }
0x175: {  	v7 =	vmul.f32 v7, v7;
	_ =	sdelay $0x1  }
0x176: {  	v6 =	vadd.f32 v7, v6;
	_ =	sdelay $0x1  }
0x177: {  	v56 =	vld [tilespmem:$0x156C0];
	[tilespmem:$0x15700] =	vst v6  }
0x178: {  	v57 =	vld [tilespmem:s8+$0x440];
	_ =	sdelay $0x4  }
0x179: {  	v7 =	vsub.f32 v56, v57;
	_ =	sdelay $0x1  }
0x17a: {  	v7 =	vmul.f32 v7, v7;
	_ =	sdelay $0x1  }
0x17b: {  	v6 =	vadd.f32 v7, v6;
	_ =	sdelay $0x1  }
0x17c: {  	v58 =	vld [tilespmem:$0x156D0];
	[tilespmem:$0x15700] =	vst v6  }
0x17d: {  	v59 =	vld [tilespmem:s8+$0x450];
	_ =	sdelay $0x4  }
0x17e: {  	v7 =	vsub.f32 v58, v59;
	_ =	sdelay $0x1  }
0x17f: {  	v7 =	vmul.f32 v7, v7;
	_ =	sdelay $0x1  }
0x180: {  	v6 =	vadd.f32 v7, v6;
	_ =	sdelay $0x1  }
0x181: {  	v60 =	vld [tilespmem:$0x156E0];
	[tilespmem:$0x15700] =	vst v6  }
0x182: {  	v61 =	vld [tilespmem:s8+$0x460];
	_ =	sdelay $0x4  }
0x183: {  	v7 =	vsub.f32 v60, v61;
	_ =	sdelay $0x1  }
0x184: {  	v7 =	vmul.f32 v7, v7;
	_ =	sdelay $0x1  }
0x185: {  	v6 =	vadd.f32 v7, v6;
	_ =	sdelay $0x1  }
0x186: {  	v62 =	vld [tilespmem:$0x156F0];
	[tilespmem:$0x15700] =	vst v6  }
0x187: {  	v63 =	vld [tilespmem:s8+$0x470];
	_ =	sdelay $0x4  }
0x188: {  	v7 =	vsub.f32 v62, v63;
	_ =	sdelay $0x1  }
0x189: {  	v7 =	vmul.f32 v7, v7  }
0x18a: {  	s2 =	sshll.u32 s2, $0xB  }
0x18b: {  	s28 =	sor.u32 s0, s2;
	v6 =	vadd.f32 v7, v6  }
0x18c: {  	s0 =	sshrl.u32 s28, $0x3  }
0x18d: {  	s0 =	sadd.s32 s6, s0;
	[tilespmem:$0x15700] =	vst v6  }
0x18e: {  	[hbm4b:s0+s22] =	stream.strided.scatter [tilespmem:s25], [sflag:$0x3], $0x100, s23, s22, $0x38;
	[tilespmem:$0x15780] =	vst v63  }
0x18f: {  	_ =	swait.ge [sflag:s14], $0x100  }
0x190: {  	s1 =	sadd.s32 $0x1, s1;
	[sflag:s14] =	ssyncset.done $0x0  }
0x191: {  	p0 =	sne.s32 s1, $0x20;
	[sflag:s14] =	ssyncadd.s32 $0xFFFFFF00  }
.Ltmp2:
0x192: {  	_ =	swait.ge [sflag:s26], $0x10000;
	(pc) =	sbr.rel @p0 .LBB2_4-.Ltmp2, $4  }
0x193: {  	[sflag:s26] =	ssyncset.done $0x0  }
0x194: {  	[sflag:s26] =	ssyncadd.s32 $0xFFFF0000  }
0x195: {  	[tilespmem:v5+s4+$0x0] =	vst.idx.msk $0xffff, v0  }
0x196: {  	s31 =	sadd.s32 $0x20, s31;
	[tilespmem:v4+s4+$0x0] =	vst.idx.msk $0xffff, v0  }
0x197: {  	s29 =	sadd.s32 $0x1, s29  }
0x198: {  	p0 =	sne.s32 s29, s12  }
.Ltmp3:
0x199: {  	s0 =	simm.s32 $0x15700;
	(pc) =	sbr.rel @p0 .LBB2_1-.Ltmp3, $4  }
0x19a: {  	[hbm4b:s11+s4] =	stream.linear.scatter [tilespmem:s0], [sflag:$0x3], $0x80, $0x38;
	[tilespmem:$0x15780] =	vst v63  }
0x19b: {  	_ =	swait.ge [sflag:s14], $0x80  }
0x19c: {  	[sflag:s14] =	ssyncset.done $0x0  }
0x19d: {  	[sflag:s14] =	ssyncadd.s32 $0xFFFFFF80  }
0x19e: {  	_ =	sfence.sel $0x180000  }
0x19f: {  	[bflag:$0x0] =	sbarrier.arrive $0xFFFF  }
0x1a0: {  	_ =	strace $0x9000004D  }
0x1a1: {  	s0 =	stileid.u32;
	[bflag:$0x2] =	sbarrier.arrive $0xFFFF  }
0x1a2: {  	p0 =	sne.s32 s0, $0x0;
	s0 =	rddreg [dreg:$0x4]  }
0x1a3: {  	s0 =	sadd.s32 @!p0 $0x100000, s0  }
0x1a4: {  	[sflag:s0] =	ssyncadd.tile.s32 @!p0 $0x1;
	_ =	shalt  }
.Lfunc_end2:
_tile_overlayer_lowered:
.L_overlay_start_2:
0x1a5: {  	(tag) =	ssettag $0x2  }
0x1a6: {  	s0 =	rddreg [dreg:$0x0];
	s2 =	stileid.u32  }
0x1a7: {  	s1 =	rddreg [dreg:$0x1];
	p0 =	sne.s32 s2, $0x0  }
0x1a8: {  	s3 =	rddreg [dreg:$0x2];
	[bflag:$0x3] =	sbarrier.arrive $0xFFFF;
	s2 =	simm.s32 @!p0 $0x1C03  }
0x1a9: {  	[timem:s3], [sflag:s2] =	dma.local @!p0 [hbm:s0], s1  }
0x1aa: {  	s0 =	simm.s32 @!p0 $0x3  }
0x1ab: {  	_ =	swait.ge @!p0 [sflag:s0], s1  }
0x1ac: {  	s1 =	ssub.s32 @!p0 $0x0, s1;
	[sflag:s0] =	ssyncset.done @!p0 $0x0  }
0x1ad: {  	[sflag:s0] =	ssyncadd.s32 @!p0 s1  }
0x1ae: {  	[bflag:$0x3] =	sbarrier.arrive $0xFFFF  }
0x1af: {  	_ =	shalt  }

// kernel: sparse-core-data-format-call.1.cloned.1.call-start
scs
called_computation.1_lowered:
.L_overlay_start_0:
0x0: {  	s2 =	sld [smem:$0x3FD9]  }
0x1: {  	s3 =	sld [smem:$0x3FFE];
	_ =	sdelay $0x1  }
0x2: {  	s1 =	srdreg.scid  }
0x3: {  	s0 =	sand.u32 $0x1, s1  }
0x4: {  	s16 =	sshll.u32 s0, $0xA;
	s2 =	sadd.s32 s3, s2  }
0x5: {  	s2 =	sadd.s32 s2, s16  }
0x6: {  	[smem:$0x3FC3] =	sst s2  }
0x7: {  	_ = 	snop  }
0x8: {  	s2 =	sld [smem:$0x3FD0];
	_ =	sdelay $0x2  }
0x9: {  	s4 =	simm.s32 $0xB;
	s5 =	simm.s32 $0x10;
	s17 =	sld [smem:$0x3FC8]  }
0xa: {  	[smem:s5], [sflag:s4] =	dma.local [hbm:s2], $0x1  }
0xb: {  	_ =	swait.eq [sflag:s4], $0x1  }
0xc: {  	[sflag:s4] =	ssyncset.done $0x0  }
0xd: {  	[sflag:s4] =	ssyncadd.s32 $0xFFFFFFFF  }
0xe: {  	s18 =	sld [smem:$0x12];
	(tm) =	ssettm $0x1  }
0xf: {  	s19 =	sld [smem:$0x3FFB];
	_ =	sdelay $0x3  }
0x10: {  	_ =	strace s19  }
0x11: {  	s4 =	sld [smem:$0x3FFC];
	_ =	sdelay $0x3  }
0x12: {  	_ =	strace s4  }
0x13: {  	s4 =	sld [smem:$0x3FFD];
	_ =	sdelay $0x3  }
0x14: {  	_ =	strace s4  }
0x15: {  	_ =	strace $0x8FFFFFFF  }
0x16: {  	s20 =	sld [smem:$0x3FDB];
	_ =	sdelay $0x1  }
0x17: {  	s21 =	simm.s32 $_scs_section_size  }
0x18: {  	s6 =	simm.s32 $_size__tile_overlayer_lowered;
	s7 =	simm.s32 $_tile_overlayer_lowered  }
0x19: {  	s24 =	simm.s32 $0x1BFF;
	s23 =	sshll.u32 s7, $0x1;
	s4 =	sadd.s32 s21, s20  }
0x1a: {  	s8 =	simm.s32 $0x0;
	s22 =	sshll.u32 s6, $0x1;
	s6 =	sadd.s32 s23, s4  }
0x1b: {  	[timem:s8], [sflag:s24] =	dma.local [hbm:s6], s22  }
0x1c: {  	_ =	swait.ge [sflag:s24], s22  }
0x1d: {  	s5 =	ssub.s32 $0x0, s22;
	[sflag:s24] =	ssyncset.done $0x0  }
0x1e: {  	[sflag:s24] =	ssyncadd.s32 s5;
	_ =	sdelay $0x1  }
0x1f: {  	s25 =	simm.s32 $0x1B8B  }
0x20: {  	_ =	swait.ge [sflag:s25], $0x1  }
0x21: {  	[sflag:s25] =	ssyncset.done $0x0  }
0x22: {  	s26 =	simm.s32 $0x1B8E;
	[sflag:s25] =	ssyncadd.s32 $0xFFFFFFFF  }
0x23: {  	s27 =	simm.s32 $execute0_lowered;
	[smem:$0x3FD2] =	sst s26  }
0x24: {  	s5 =	sshll.u32 s27, $0x1;
	_ =	strace $0x80000046;
	[dreg:$0x1] =	wrdreg $0xFFFFFFFF  }
0x25: {  	s28 =	simm.s32 $_size_execute0_lowered;
	s4 =	sadd.s32 s4, s5;
	[dreg:$0x0] =	wrdreg $0x0  }
0x26: {  	s5 =	sshll.u32 s28, $0x1;
	[dreg:$0x2] =	wrdreg s4  }
0x27: {  	[dreg:$0x3] =	wrdreg s5  }
0x28: {  	[dreg:$0x4] =	wrdreg $0xC0  }
0x29: {  	_ =	task [dreg:s8], $0x5FFFF  }
0x2a: {  	[dreg:$0x1] =	wrdreg $0xFFFFFFFF  }
0x2b: {  	[dreg:$0x0] =	wrdreg $0x60  }
0x2c: {  	[dreg:$0x2] =	wrdreg s17  }
0x2d: {  	[dreg:$0x3] =	wrdreg s18  }
0x2e: {  	[dreg:$0x4] =	wrdreg $0xA  }
0x2f: {  	_ =	task.clear_ibuf [dreg:s8], $0x5FFFF;
	_ =	strace $0x90000046  }
0x30: {  	s29 =	simm.s32 $0xA;
	_ =	strace $0x80000048  }
0x31: {  	_ =	swait.ge [sflag:s29], $0x1  }
0x32: {  	[sflag:s29] =	ssyncadd.s32 $0xFFFFFFFF  }
0x33: {  	_ =	strace $0x90000048  }
0x34: {  	_ =	sfence  }
0x35: {  	s30 =	sld [smem:$0x0];
	_ =	sdelay $0x2  }
0x36: {  	s31 =	sshll.u32 s1, $0xD;
	s1 =	sshrl.u32 s1, $0x2  }
0x37: {  	s3 =	sand.u32 $0x4000, s31;
	s1 =	sadd.s32 s1, s30  }
0x38: {  	s0 =	sor.u32 s3, s0;
	s1 =	sshll.u32 s1, $0x11  }
0x39: {  	s0 =	sor.u32 s1, s0  }
0x3a: {  	s0 =	sadd.s32 $0x8F2B, s0  }
0x3b: {  	[sflag:s0] =	ssyncadd.remote.s32 $0x1  }
0x3c: {  	_ =	sfence.sel $0xFFFF  }
0x3d: {  	[dreg:$0x0] =	wrdreg $0xFFFFFFFF;
	(pc) =	sbr.abs _section_cstart, $3  }
0x3e: {  	[dreg:$0x1] =	wrdreg $0xFFFFFFFF  }
0x3f: {  	_ =	task.clear_ibuf [dreg:s8], $0x2FFFF;
	_ =	strace $0x9FFFFFFF  }
0x40: {  	(tm) =	ssettm $0x7FFFFFFF  }
0x41: {  	_ =	shalt  }
tec
execute0_lowered:
.L_overlay_start_1:
0x0: {  	(tag) =	ssettag $0x1  }
0x1: {  	s0 =	srdreg.scid  }
0x2: {  	s1 =	sshll.u32 s0, $0x4  }
0x3: {  	s0 =	stileid.u32;
	s1 =	sand.u32 $0x10, s1  }
0x4: {  	s2 =	rddreg [dreg:$0x0];
	s1 =	sor.u32 s0, s1  }
0x5: {  	s4 =	rddreg [dreg:$0x1];
	s7 =	simm.s32 $0x1;
	s3 =	sshll.u32 s1, $0x3  }
0x6: {  	s8 =	simm.s32 $0x2;
	s11 =	simm.s32 $0x0;
	s6 =	ssub.s32 $0x2000, s3  }
.Ltmp0:
0x7: {  	s10 =	simm.s32 $0x0;
	s5 =	sand.u32 $0xF8, s6;
	(pc) =	sbr.rel .LBB1_1-.Ltmp0, $4  }
0x8: {  	s1 =	rddreg [dreg:$0x2];
	_ =	strace $0x80000047;
	p0 =	sne.s32 s5, $0x0  }
0x9: {  	s6 =	sshrl.u32 s6, $0x8;
	s5 =	simm.s32 $0x1;
	s7 =	simm.s32 @!p0 $0x0  }
0xa: {  	s9 =	smov.u32 s3;
	[sflag:s5] =	ssyncpa.u1 $0x0;
	s6 =	sadd.s32 s7, s6  }
0xb: {  	[sflag:s8] =	ssyncpa.u1 $0x0;
	s8 =	simm.s32 $0x0;
	s7 =	sadd.s32 $0x1, s6  }
.LBB1_9:
0xc: {  	s13 =	sadd.s32 $0x100, s9  }
0xd: {  	p1 =	sgt.s32 s13, $0x1FFF  }
0xe: {  	s13 =	smov.u32 @p1 s3;
	p1 =	sne.s32 s10, s7  }
.Ltmp1:
0xf: {  	p0 =	slt.u32 s10, $0x2;
	(pc) =	sbr.rel @!p1 .LBB1_10-.Ltmp1, $4  }
0x10: {  	s12 =	simm.s32 @!p0 $0x2  }
0x11: {  	_ =	swait.ge @!p0 [sflag:s12], $0x4000  }
0x12: {  	s14 =	sadd.s32 $0x1, s10;
	s11 =	smov.u32 s9;
	[sflag:s12] =	ssyncset.done @!p0 $0x0  }
0x13: {  	s10 =	smov.u32 s14;
	s9 =	smov.u32 s13;
	[sflag:s12] =	ssyncadd.s32 @!p0 $0xFFFFC000  }
.LBB1_1:
0x14: {  	p0 =	sge.u32 s10, s6  }
0x15: {  	s12 =	sxor.u32 @!p0 $0xFFFFFFFF, s10  }
0x16: {  	s31 =	sadd.s32 $0xFFFFFFFF, s10;
	s13 =	sshll.u32 @!p0 s9, $0x8;
	s12 =	sshll.u32 @!p0 s12, $0xE  }
0x17: {  	s14 =	simm.s32 @!p0 $0x0;
	s13 =	sadd.s32 @!p0 s2, s13;
	s12 =	sand.u32 @!p0 $0x4000, s12  }
0x18: {  	[tilespmem:s12], [sflag:$0x1] =	stream.linear.gather @!p0 [hbm4b:s13+s14], $0x4000, $0x38;
	[tilespmem:$0x10000] =	vst v63  }
0x19: {  	p0 =	sge.u32 s31, s6  }
.Ltmp2:
0x1a: {  	_ = 	snop;
	(pc) =	sbr.rel @p0 .LBB1_9-.Ltmp2, $1  }
0x1b: {  	_ =	sdelay $0x3  }
0x1c: {  	_ =	swait.ge [sflag:s5], $0x4000;
	s12 =	sshll.u32 s10, $0xE  }
0x1d: {  	[sflag:s5] =	ssyncset.done $0x0;
	s13 =	sand.u32 $0x4000, s12  }
0x1e: {  	s14 =	simm.s32 $0x0;
	[sflag:s5] =	ssyncadd.s32 $0xFFFFC000;
	s12 =	sor.u32 $0x8000, s13  }
.LBB1_3:
0x1f: {  	s16 =	sshll.u32 s14, $0xB  }
0x20: {  	s17 =	simm.s32 $0x0;
	s15 =	sadd.s32 s16, s13;
	s16 =	sadd.s32 s16, s12  }
.LBB1_4:
0x21: {  	s18 =	sshll.u32 s17, $0x8  }
0x22: {  	s18 =	sand.u32 $0x3FFFFF00, s18  }
0x23: {  	s19 =	sshll.u32 s17, $0x7;
	s20 =	sadd.s32 s18, s15  }
0x24: {  	s19 =	sand.u32 $0x3FFFFF80, s19;
	v0 =	vmov s20  }
0x25: {  	s19 =	sadd.s32 s19, s16  }
0x26: {  	p0 =	por $0x1, $0x1;
	s18 =	simm.s32 $0x0;
	v1 =	vmov s19  }
.LBB1_5:
0x27: {  	s19 =	sshll.u32 s18, $0x7  }
0x28: {  	s19 =	sand.u32 $0x3FFFFF80, s19  }
0x29: {  	v2 =	vld.idx.msk [tilespmem:v0+s19+$0x0 ss:$0x1], $0xffff  }
0x2a: {  	v3 =	vld.idx.msk [tilespmem:v0+s19+$0x10 ss:$0x1], $0xffff  }
0x2b: {  	v4 =	vld.idx.msk [tilespmem:v0+s19+$0x20 ss:$0x1], $0xffff  }
0x2c: {  	s31 =	sshll.u32 s18, $0xA;
	v5 =	vld.idx.msk [tilespmem:v0+s19+$0x30 ss:$0x1], $0xffff  }
0x2d: {  	s18 =	sand.u32 $0x3FFFFC00, s31;
	v6 =	vld.idx.msk [tilespmem:v0+s19+$0x40 ss:$0x1], $0xffff  }
0x2e: {  	v63 =	vld.idx.msk [tilespmem:v0+s19+$0x70 ss:$0x1], $0xffff;
	[tilespmem:v1+s18+$0x0 ss:$0x1] =	vst.idx.msk $0xffff, v2  }
0x2f: {  	v2 =	vld.idx.msk [tilespmem:v0+s19+$0x50 ss:$0x1], $0xffff;
	[tilespmem:v1+s18+$0x10 ss:$0x1] =	vst.idx.msk $0xffff, v3  }
0x30: {  	p1 =	por p0, p0;
	v3 =	vld.idx.msk [tilespmem:v0+s19+$0x60 ss:$0x1], $0xffff;
	[tilespmem:v1+s18+$0x20 ss:$0x1] =	vst.idx.msk $0xffff, v4  }
.Ltmp3:
0x31: {  	[tilespmem:v1+s18+$0x30 ss:$0x1] =	vst.idx.msk $0xffff, v5;
	(pc) =	sbr.rel @p1 .LBB1_5-.Ltmp3, $4  }
0x32: {  	[tilespmem:v1+s18+$0x40 ss:$0x1] =	vst.idx.msk $0xffff, v6  }
0x33: {  	[tilespmem:v1+s18+$0x70 ss:$0x1] =	vst.idx.msk $0xffff, v63  }
0x34: {  	[tilespmem:v1+s18+$0x50 ss:$0x1] =	vst.idx.msk $0xffff, v2  }
0x35: {  	p0 =	por $0x0, $0x0;
	[tilespmem:v1+s18+$0x60 ss:$0x1] =	vst.idx.msk $0xffff, v3;
	s18 =	simm.s32 $0x1  }
0x36: {  	s17 =	sadd.s32 $0x1, s17  }
0x37: {  	p0 =	sne.s32 s17, $0x8  }
.Ltmp4:
0x38: {  	_ = 	snop;
	(pc) =	sbr.rel @p0 .LBB1_4-.Ltmp4, $1  }
0x39: {  	_ =	sdelay $0x3  }
0x3a: {  	s14 =	sadd.s32 $0x1, s14  }
0x3b: {  	p0 =	sne.s32 s14, $0x8  }
.Ltmp5:
0x3c: {  	_ = 	snop;
	(pc) =	sbr.rel @p0 .LBB1_3-.Ltmp5, $1  }
0x3d: {  	_ =	sdelay $0x3  }
.Ltmp6:
0x3e: {  	(pc) =	sbr.rel .LBB1_9-.Ltmp6, $4  }
0x3f: {  	_ = 	snop  }
0x40: {  	s11 =	sshll.u32 s11, $0x8  }
0x41: {  	s11 =	sadd.s32 s4, s11  }
0x42: {  	[hbm4b:s11+s8] =	stream.linear.scatter [tilespmem:s12], [sflag:$0x2], $0x4000, $0x38;
	[tilespmem:$0x10000] =	vst v63  }
.LBB1_10:
0x43: {  	_ =	sfence.sel $0x180000  }
0x44: {  	s2 =	simm.s32 $0x1;
	[bflag:$0x0] =	sbarrier.arrive $0xFFFF  }
0x45: {  	s31 =	simm.s32 $0x2;
	[sflag:s2] =	ssyncpa.u1 $0x1  }
0x46: {  	[sflag:s31] =	ssyncpa.u1 $0x1  }
0x47: {  	p0 =	sne.s32 s0, $0x0;
	_ =	strace $0x90000047  }
0x48: {  	s0 =	sadd.s32 @!p0 $0x100000, s1;
	[bflag:$0x2] =	sbarrier.arrive $0xFFFF  }
0x49: {  	[sflag:s0] =	ssyncadd.tile.s32 @!p0 $0x1;
	_ =	shalt  }
.Lfunc_end1:
_tile_overlayer_lowered:
.L_overlay_start_2:
0x4a: {  	(tag) =	ssettag $0x2  }
0x4b: {  	s0 =	rddreg [dreg:$0x0];
	s2 =	stileid.u32  }
0x4c: {  	s1 =	rddreg [dreg:$0x1];
	p0 =	sne.s32 s2, $0x0  }
0x4d: {  	s3 =	rddreg [dreg:$0x2];
	[bflag:$0x3] =	sbarrier.arrive $0xFFFF;
	s2 =	simm.s32 @!p0 $0x1C01  }
0x4e: {  	[timem:s3], [sflag:s2] =	dma.local @!p0 [hbm:s0], s1  }
0x4f: {  	s0 =	simm.s32 @!p0 $0x1  }
0x50: {  	_ =	swait.ge @!p0 [sflag:s0], s1  }
0x51: {  	s1 =	ssub.s32 @!p0 $0x0, s1;
	[sflag:s0] =	ssyncset.done @!p0 $0x0  }
0x52: {  	[sflag:s0] =	ssyncadd.s32 @!p0 s1  }
0x53: {  	[bflag:$0x3] =	sbarrier.arrive $0xFFFF  }
0x54: {  	_ =	shalt  }

// kernel: sparse-core-data-format-call.cloned.1.call-start
scs
called_computation_lowered:
.L_overlay_start_0:
0x0: {  	s2 =	sld [smem:$0x3FD9]  }
0x1: {  	s3 =	sld [smem:$0x3FFE];
	_ =	sdelay $0x1  }
0x2: {  	s1 =	srdreg.scid  }
0x3: {  	s0 =	sand.u32 $0x1, s1  }
0x4: {  	s18 =	sshll.u32 s0, $0xA;
	s2 =	sadd.s32 s3, s2  }
0x5: {  	s2 =	sadd.s32 s2, s18  }
0x6: {  	[smem:$0x3FC3] =	sst s2  }
0x7: {  	_ = 	snop  }
0x8: {  	s19 =	sld [smem:$0x3FC6];
	(tm) =	ssettm $0x1  }
0x9: {  	s20 =	sld [smem:$0x3FFB];
	_ =	sdelay $0x3  }
0xa: {  	_ =	strace s20  }
0xb: {  	s2 =	sld [smem:$0x3FFC];
	_ =	sdelay $0x3  }
0xc: {  	_ =	strace s2  }
0xd: {  	s2 =	sld [smem:$0x3FFD];
	_ =	sdelay $0x3  }
0xe: {  	_ =	strace s2  }
0xf: {  	_ =	strace $0x8FFFFFFF  }
0x10: {  	s21 =	sld [smem:$0x3FDB];
	_ =	sdelay $0x1  }
0x11: {  	s4 =	simm.s32 $_scs_section_size  }
0x12: {  	s5 =	simm.s32 $_size__tile_overlayer_lowered;
	s6 =	simm.s32 $_tile_overlayer_lowered  }
0x13: {  	s7 =	simm.s32 $0x1BFF;
	s22 =	sshll.u32 s6, $0x1;
	s4 =	sadd.s32 s4, s21  }
0x14: {  	s23 =	simm.s32 $0x0;
	s5 =	sshll.u32 s5, $0x1;
	s6 =	sadd.s32 s22, s4  }
0x15: {  	[timem:s23], [sflag:s7] =	dma.local [hbm:s6], s5  }
0x16: {  	_ =	swait.ge [sflag:s7], s5  }
0x17: {  	s5 =	ssub.s32 $0x0, s5;
	[sflag:s7] =	ssyncset.done $0x0  }
0x18: {  	[sflag:s7] =	ssyncadd.s32 s5;
	_ =	sdelay $0x1  }
0x19: {  	s24 =	simm.s32 $0x1B8B  }
0x1a: {  	_ =	swait.ge [sflag:s24], $0x1  }
0x1b: {  	[sflag:s24] =	ssyncset.done $0x0  }
0x1c: {  	[sflag:s24] =	ssyncadd.s32 $0xFFFFFFFF  }
0x1d: {  	s5 =	sld [smem:$0x0]  }
0x1e: {  	s6 =	sand.u32 $0xFFFFFFFE, s1  }
0x1f: {  	p0 =	sne.s32 s1, s6  }
0x20: {  	s6 =	sshll.u32 @p0 s6, $0xE  }
0x21: {  	s6 =	sadd.s32 @p0 $0x11B8D, s6;
	s7 =	sshll.u32 @p0 s5, $0x11  }
0x22: {  	s6 =	sor.u32 @p0 s7, s6  }
0x23: {  	[sflag:s6] =	ssyncadd.remote.s32 @p0 $0x1;
	_ =	sdelay $0x1  }
0x24: {  	s6 =	simm.s32 @p0 $0x1B8D  }
0x25: {  	_ =	swait.eq @p0 [sflag:s6], $0x1  }
0x26: {  	[sflag:s6] =	ssyncadd.s32 @p0 $0xFFFFFFFF  }
0x27: {  	s7 =	sshll.u32 @!p0 s1, $0xE  }
0x28: {  	s7 =	sor.u32 @!p0 $0x4000, s7;
	s6 =	simm.s32 @!p0 $0x1B8D  }
0x29: {  	s5 =	sshll.u32 @!p0 s5, $0x11;
	s7 =	sadd.s32 @!p0 $0x11B8D, s7;
	_ =	swait.eq @!p0 [sflag:s6], $0x1  }
0x2a: {  	s5 =	sor.u32 @!p0 s5, s7;
	[sflag:s6] =	ssyncadd.s32 @!p0 $0xFFFFFFFF  }
0x2b: {  	s26 =	simm.s32 $0x1B8E;
	s25 =	sld [smem:$0x3FFE];
	[sflag:s5] =	ssyncadd.remote.s32 @!p0 $0x1  }
0x2c: {  	s27 =	simm.s32 $execute0_lowered;
	[smem:$0x3FD2] =	sst s26  }
0x2d: {  	s6 =	sshll.u32 s27, $0x1;
	_ =	strace $0x80000049;
	[dreg:$0x1] =	wrdreg $0xFFFFFFFF  }
0x2e: {  	s28 =	simm.s32 $_size_execute0_lowered;
	s4 =	sadd.s32 s4, s6;
	[dreg:$0x0] =	wrdreg $0x0  }
0x2f: {  	s6 =	sshll.u32 s28, $0x1;
	[dreg:$0x2] =	wrdreg s4  }
0x30: {  	[dreg:$0x3] =	wrdreg s6  }
0x31: {  	[dreg:$0x4] =	wrdreg $0xC0  }
0x32: {  	_ =	task [dreg:s23], $0x5FFFF  }
0x33: {  	[dreg:$0x1] =	wrdreg $0xFFFFFFFF  }
0x34: {  	[dreg:$0x0] =	wrdreg $0x60  }
0x35: {  	[dreg:$0x2] =	wrdreg s19  }
0x36: {  	[dreg:$0x3] =	wrdreg s25  }
0x37: {  	[dreg:$0x4] =	wrdreg $0x9  }
0x38: {  	_ =	task.clear_ibuf [dreg:s23], $0x5FFFF;
	_ =	strace $0x90000049  }
0x39: {  	s29 =	simm.s32 $0x9;
	_ =	strace $0x8000004B  }
0x3a: {  	_ =	swait.ge [sflag:s29], $0x1  }
0x3b: {  	[sflag:s29] =	ssyncadd.s32 $0xFFFFFFFF  }
0x3c: {  	_ =	strace $0x9000004B  }
0x3d: {  	_ =	sfence  }
0x3e: {  	s30 =	sld [smem:$0x0];
	_ =	sdelay $0x2  }
0x3f: {  	s31 =	sshll.u32 s1, $0xD;
	s1 =	sshrl.u32 s1, $0x2  }
0x40: {  	s4 =	sand.u32 $0x4000, s31;
	s1 =	sadd.s32 s1, s30  }
0x41: {  	s0 =	sor.u32 s4, s0;
	s1 =	sshll.u32 s1, $0x11  }
0x42: {  	s0 =	sor.u32 s1, s0  }
0x43: {  	s0 =	sadd.s32 $0x8F2B, s0  }
0x44: {  	[sflag:s0] =	ssyncadd.remote.s32 $0x1  }
0x45: {  	_ =	sfence.sel $0xFFFF  }
0x46: {  	[dreg:$0x0] =	wrdreg $0xFFFFFFFF;
	(pc) =	sbr.abs _section_cstart, $3  }
0x47: {  	[dreg:$0x1] =	wrdreg $0xFFFFFFFF  }
0x48: {  	_ =	task.clear_ibuf [dreg:s23], $0x2FFFF;
	_ =	strace $0x9FFFFFFF  }
0x49: {  	(tm) =	ssettm $0x7FFFFFFF  }
tec
execute0_lowered:
.L_overlay_start_1:
0x0: {  	(tag) =	ssettag $0x1  }
0x1: {  	s0 =	srdreg.scid  }
0x2: {  	s1 =	sshll.u32 s0, $0x4  }
0x3: {  	s2 =	rddreg [dreg:$0x0];
	s0 =	stileid.u32;
	s1 =	sand.u32 $0x10, s1  }
0x4: {  	s6 =	rddreg [dreg:$0x1];
	s1 =	sor.u32 s0, s1  }
0x5: {  	s7 =	simm.s32 $0x1;
	s8 =	simm.s32 $0x2;
	s3 =	sshll.u32 s1, $0x3  }
0x6: {  	s11 =	simm.s32 $0x0;
	s10 =	simm.s32 $0x0;
	s5 =	ssub.s32 $0x2000, s3  }
.Ltmp0:
0x7: {  	s6 =	sadd.s32 $0x1C00, s6;
	s4 =	sand.u32 $0xF8, s5;
	(pc) =	sbr.rel .LBB1_1-.Ltmp0, $4  }
0x8: {  	s1 =	rddreg [dreg:$0x2];
	_ =	strace $0x8000004A;
	p0 =	sne.s32 s4, $0x0  }
0x9: {  	s5 =	sshrl.u32 s5, $0x8;
	s4 =	simm.s32 $0x1;
	s7 =	simm.s32 @!p0 $0x0  }
0xa: {  	s9 =	smov.u32 s3;
	[sflag:s4] =	ssyncpa.u1 $0x0;
	s5 =	sadd.s32 s7, s5  }
0xb: {  	[sflag:s8] =	ssyncpa.u1 $0x0;
	s8 =	simm.s32 $0x0;
	s7 =	sadd.s32 $0x1, s5  }
.LBB1_9:
0xc: {  	s13 =	sadd.s32 $0x100, s9  }
0xd: {  	p1 =	sgt.s32 s13, $0x1FFF  }
0xe: {  	s13 =	smov.u32 @p1 s3;
	p1 =	sne.s32 s10, s7  }
.Ltmp1:
0xf: {  	p0 =	slt.u32 s10, $0x2;
	(pc) =	sbr.rel @!p1 .LBB1_10-.Ltmp1, $4  }
0x10: {  	s12 =	simm.s32 @!p0 $0x2  }
0x11: {  	_ =	swait.ge @!p0 [sflag:s12], $0x4000  }
0x12: {  	s14 =	sadd.s32 $0x1, s10;
	s11 =	smov.u32 s9;
	[sflag:s12] =	ssyncset.done @!p0 $0x0  }
0x13: {  	s10 =	smov.u32 s14;
	s9 =	smov.u32 s13;
	[sflag:s12] =	ssyncadd.s32 @!p0 $0xFFFFC000  }
.LBB1_1:
0x14: {  	p0 =	sge.u32 s10, s5  }
0x15: {  	s12 =	sxor.u32 @!p0 $0xFFFFFFFF, s10  }
0x16: {  	s31 =	sadd.s32 $0xFFFFFFFF, s10;
	s13 =	sshll.u32 @!p0 s9, $0x8;
	s12 =	sshll.u32 @!p0 s12, $0xE  }
0x17: {  	s14 =	simm.s32 @!p0 $0x0;
	s13 =	sadd.s32 @!p0 s2, s13;
	s12 =	sand.u32 @!p0 $0x4000, s12  }
0x18: {  	[tilespmem:s12], [sflag:$0x1] =	stream.linear.gather @!p0 [hbm4b:s13+s14], $0x4000, $0x38;
	[tilespmem:$0x10000] =	vst v63  }
0x19: {  	p0 =	sge.u32 s31, s5  }
.Ltmp2:
0x1a: {  	_ = 	snop;
	(pc) =	sbr.rel @p0 .LBB1_9-.Ltmp2, $1  }
0x1b: {  	_ =	sdelay $0x3  }
0x1c: {  	_ =	swait.ge [sflag:s4], $0x4000;
	s12 =	sshll.u32 s10, $0xE  }
0x1d: {  	[sflag:s4] =	ssyncset.done $0x0;
	s13 =	sand.u32 $0x4000, s12  }
0x1e: {  	s14 =	simm.s32 $0x0;
	[sflag:s4] =	ssyncadd.s32 $0xFFFFC000;
	s12 =	sor.u32 $0x8000, s13  }
.LBB1_3:
0x1f: {  	s16 =	sshll.u32 s14, $0xB  }
0x20: {  	s17 =	simm.s32 $0x0;
	s15 =	sadd.s32 s16, s13;
	s16 =	sadd.s32 s16, s12  }
.LBB1_4:
0x21: {  	s18 =	sshll.u32 s17, $0x8  }
0x22: {  	s18 =	sand.u32 $0x3FFFFF00, s18  }
0x23: {  	s19 =	sshll.u32 s17, $0x7;
	s20 =	sadd.s32 s18, s15  }
0x24: {  	s19 =	sand.u32 $0x3FFFFF80, s19;
	v0 =	vmov s20  }
0x25: {  	s19 =	sadd.s32 s19, s16  }
0x26: {  	p0 =	por $0x1, $0x1;
	s18 =	simm.s32 $0x0;
	v1 =	vmov s19  }
.LBB1_5:
0x27: {  	s19 =	sshll.u32 s18, $0x7  }
0x28: {  	s19 =	sand.u32 $0x3FFFFF80, s19  }
0x29: {  	v2 =	vld.idx.msk [tilespmem:v0+s19+$0x0 ss:$0x1], $0xffff  }
0x2a: {  	v3 =	vld.idx.msk [tilespmem:v0+s19+$0x10 ss:$0x1], $0xffff  }
0x2b: {  	v4 =	vld.idx.msk [tilespmem:v0+s19+$0x20 ss:$0x1], $0xffff  }
0x2c: {  	s31 =	sshll.u32 s18, $0xA;
	v5 =	vld.idx.msk [tilespmem:v0+s19+$0x30 ss:$0x1], $0xffff  }
0x2d: {  	s18 =	sand.u32 $0x3FFFFC00, s31;
	v6 =	vld.idx.msk [tilespmem:v0+s19+$0x40 ss:$0x1], $0xffff  }
0x2e: {  	v63 =	vld.idx.msk [tilespmem:v0+s19+$0x70 ss:$0x1], $0xffff;
	[tilespmem:v1+s18+$0x0 ss:$0x1] =	vst.idx.msk $0xffff, v2  }
0x2f: {  	v2 =	vld.idx.msk [tilespmem:v0+s19+$0x50 ss:$0x1], $0xffff;
	[tilespmem:v1+s18+$0x10 ss:$0x1] =	vst.idx.msk $0xffff, v3  }
0x30: {  	p1 =	por p0, p0;
	v3 =	vld.idx.msk [tilespmem:v0+s19+$0x60 ss:$0x1], $0xffff;
	[tilespmem:v1+s18+$0x20 ss:$0x1] =	vst.idx.msk $0xffff, v4  }
.Ltmp3:
0x31: {  	[tilespmem:v1+s18+$0x30 ss:$0x1] =	vst.idx.msk $0xffff, v5;
	(pc) =	sbr.rel @p1 .LBB1_5-.Ltmp3, $4  }
0x32: {  	[tilespmem:v1+s18+$0x40 ss:$0x1] =	vst.idx.msk $0xffff, v6  }
0x33: {  	[tilespmem:v1+s18+$0x70 ss:$0x1] =	vst.idx.msk $0xffff, v63  }
0x34: {  	[tilespmem:v1+s18+$0x50 ss:$0x1] =	vst.idx.msk $0xffff, v2  }
0x35: {  	p0 =	por $0x0, $0x0;
	[tilespmem:v1+s18+$0x60 ss:$0x1] =	vst.idx.msk $0xffff, v3;
	s18 =	simm.s32 $0x1  }
0x36: {  	s17 =	sadd.s32 $0x1, s17  }
0x37: {  	p0 =	sne.s32 s17, $0x8  }
.Ltmp4:
0x38: {  	_ = 	snop;
	(pc) =	sbr.rel @p0 .LBB1_4-.Ltmp4, $1  }
0x39: {  	_ =	sdelay $0x3  }
0x3a: {  	s14 =	sadd.s32 $0x1, s14  }
0x3b: {  	p0 =	sne.s32 s14, $0x8  }
.Ltmp5:
0x3c: {  	_ = 	snop;
	(pc) =	sbr.rel @p0 .LBB1_3-.Ltmp5, $1  }
0x3d: {  	_ =	sdelay $0x3  }
.Ltmp6:
0x3e: {  	(pc) =	sbr.rel .LBB1_9-.Ltmp6, $4  }
0x3f: {  	_ = 	snop  }
0x40: {  	s11 =	sshll.u32 s11, $0x8  }
0x41: {  	s11 =	sadd.s32 s6, s11  }
0x42: {  	[hbm4b:s11+s8] =	stream.linear.scatter [tilespmem:s12], [sflag:$0x2], $0x4000, $0x38;
	[tilespmem:$0x10000] =	vst v63  }
.LBB1_10:
0x43: {  	_ =	sfence.sel $0x180000  }
0x44: {  	s2 =	simm.s32 $0x1;
	[bflag:$0x0] =	sbarrier.arrive $0xFFFF  }
0x45: {  	s31 =	simm.s32 $0x2;
	[sflag:s2] =	ssyncpa.u1 $0x1  }
0x46: {  	[sflag:s31] =	ssyncpa.u1 $0x1  }
0x47: {  	p0 =	sne.s32 s0, $0x0;
	_ =	strace $0x9000004A  }
0x48: {  	s0 =	sadd.s32 @!p0 $0x100000, s1;
	[bflag:$0x2] =	sbarrier.arrive $0xFFFF  }
0x49: {  	[sflag:s0] =	ssyncadd.tile.s32 @!p0 $0x1;
	_ =	shalt  }
.Lfunc_end1:
_tile_overlayer_lowered:
.L_overlay_start_2:
0x4a: {  	(tag) =	ssettag $0x2  }
0x4b: {  	s0 =	rddreg [dreg:$0x0];
	s2 =	stileid.u32  }
0x4c: {  	s1 =	rddreg [dreg:$0x1];
	p0 =	sne.s32 s2, $0x0  }
0x4d: {  	s3 =	rddreg [dreg:$0x2];
	[bflag:$0x3] =	sbarrier.arrive $0xFFFF;
	s2 =	simm.s32 @!p0 $0x1C01  }
0x4e: {  	[timem:s3], [sflag:s2] =	dma.local @!p0 [hbm:s0], s1  }
0x4f: {  	s0 =	simm.s32 @!p0 $0x1  }
0x50: {  	_ =	swait.ge @!p0 [sflag:s0], s1  }
0x51: {  	s1 =	ssub.s32 @!p0 $0x0, s1;
	[sflag:s0] =	ssyncset.done @!p0 $0x0  }
0x52: {  	[sflag:s0] =	ssyncadd.s32 @!p0 s1  }
0x53: {  	[bflag:$0x3] =	sbarrier.arrive $0xFFFF  }
0x54: {  	_ =	shalt  }

</sc_bundles>
